<compile_context>
chip_gen: v7x
topology: tpu7x:2x2x1
jax: 0.10.2.dev20260603
libtpu: 0.0.44.dev20260713+nightly
codegen_flags: <defaults>
</compile_context>

<pallas_src>
import functools

import jax
import jax.numpy as jnp
from jax import lax
from jax.experimental import pallas as pl
from jax.experimental.pallas import tpu as pltpu
from jax.experimental.pallas import tpu_sc as plsc

N = 10000
NP = 10240
D = 128
NG = 64
E = 320000
NC = 2
NS = 16
NW = NC * NS
CHUNK = 128
CPW = 79
EP = NW * CPW * CHUNK
RPT = NP // NS



def _zero_rows(buf, nrows, ncols):
    def body(i, _):
        r = i // (ncols // 16)
        c = (i % (ncols // 16)) * 16
        buf[r, pl.ds(c, 16)] = jnp.zeros((16,), jnp.float32)
        return 0
    lax.fori_loop(0, nrows * (ncols // 16), body, 0)


def _deg_body(dst_hbm, out_hbm, dst_v, ones_v, acc_sh):
    cid = lax.axis_index("c")
    sid = lax.axis_index("s")
    wid = sid * NC + cid
    pltpu.sync_copy(dst_hbm.at[wid], dst_v)

    base = sid * RPT
    _zero_rows(ones_v, CHUNK, 16)
    for k in range(RPT // CHUNK):
        pltpu.sync_copy(ones_v, acc_sh.at[pl.ds(base + k * CHUNK, CHUNK)])

    def fill(i, _):
        ones_v[i, :] = jnp.ones((16,), jnp.float32)
        return 0
    lax.fori_loop(0, CHUNK, fill, 0)
    plsc.subcore_barrier()

    def body(j, _):
        pltpu.sync_copy(ones_v, acc_sh.at[dst_v.at[j]], add=True)
        return 0
    lax.fori_loop(0, CPW, body, 0)
    plsc.subcore_barrier()
    pltpu.sync_copy(acc_sh.at[pl.ds(base, RPT)],
                    out_hbm.at[cid].at[pl.ds(base, RPT)])


@functools.cache
def _deg_call():
    return pl.kernel(
        _deg_body,
        out_type=jax.ShapeDtypeStruct((NC, NP, 16), jnp.float32),
        mesh=plsc.VectorSubcoreMesh(core_axis_name="c", subcore_axis_name="s"),
        scratch_types=[
            pltpu.VMEM((CPW, CHUNK), jnp.int32),
            pltpu.VMEM((CHUNK, 16), jnp.float32),
            pltpu.VMEM_SHARED((NP, 16), jnp.float32),
        ],
    )


def _mp_body(src_hbm, dst_hbm, t_hbm, out_hbm, src_v, dst_v, rows_v, acc_sh,
             sem):
    cid = lax.axis_index("c")
    sid = lax.axis_index("s")
    wid = sid * NC + cid
    pltpu.sync_copy(src_hbm.at[wid], src_v)
    pltpu.sync_copy(dst_hbm.at[wid], dst_v)

    _zero_rows(rows_v, CHUNK, D)
    base = sid * RPT
    for k in range(RPT // CHUNK):
        pltpu.sync_copy(rows_v, acc_sh.at[pl.ds(base + k * CHUNK, CHUNK)])
    plsc.subcore_barrier()

    def body(j, _):
        pltpu.async_copy(t_hbm.at[src_v.at[j]], rows_v, sem).wait()
        pltpu.sync_copy(rows_v, acc_sh.at[dst_v.at[j]], add=True)
        return 0
    lax.fori_loop(0, CPW, body, 0)
    plsc.subcore_barrier()
    pltpu.sync_copy(acc_sh.at[pl.ds(base, RPT)],
                    out_hbm.at[cid].at[pl.ds(base, RPT)])


@functools.cache
def _mp_call():
    return pl.kernel(
        _mp_body,
        out_type=jax.ShapeDtypeStruct((NC, NP, D), jnp.float32),
        mesh=plsc.VectorSubcoreMesh(core_axis_name="c", subcore_axis_name="s"),
        scratch_types=[
            pltpu.VMEM((CPW, CHUNK), jnp.int32),
            pltpu.VMEM((CPW, CHUNK), jnp.int32),
            pltpu.VMEM((CHUNK, D), jnp.float32),
            pltpu.VMEM_SHARED((NP, D), jnp.float32),
            pltpu.SemaphoreType.DMA,
        ],
    )


def _mm_body(x_ref, w_ref, o_ref):
    o_ref[...] = jnp.dot(x_ref[...], w_ref[...],
                         preferred_element_type=jnp.float32)


_mm_call = pl.pallas_call(
    _mm_body,
    out_shape=jax.ShapeDtypeStruct((NP, D), jnp.float32),
)


def _scale_body(h_ref, degp_ref, t_ref, dinv_ref):
    degp = degp_ref[...]
    deg = degp[0, :, 0:1] + degp[1, :, 0:1] + 1.0
    dinv = lax.rsqrt(deg)
    rid = lax.broadcasted_iota(jnp.int32, (NP, 1), 0)
    dinv = jnp.where(rid < N, dinv, 0.0)
    dinv_b = jnp.broadcast_to(dinv, (NP, D))
    dinv_ref[...] = dinv_b
    t_ref[...] = h_ref[...] * dinv_b


_scale_call = pl.pallas_call(
    _scale_body,
    out_shape=(jax.ShapeDtypeStruct((NP, D), jnp.float32),
               jax.ShapeDtypeStruct((NP, D), jnp.float32)),
)


def _layer_body(s_ref, t_ref, dinv_ref, b_ref, w_ref, o_ref):
    s = s_ref[0] + s_ref[1] + t_ref[...]
    a = jnp.maximum(s * dinv_ref[...] + b_ref[...], 0.0)
    h = jnp.dot(a, w_ref[...], preferred_element_type=jnp.float32)
    o_ref[...] = h * dinv_ref[...]


_layer_call = pl.pallas_call(
    _layer_body,
    out_shape=jax.ShapeDtypeStruct((NP, D), jnp.float32),
)


def _final_body(s_ref, t_ref, dinv_ref, b_ref, batch_ref, wlt_ref, bl_ref,
                o_ref):
    s = s_ref[0] + s_ref[1] + t_ref[...]
    a = s * dinv_ref[...] + b_ref[...]
    ids = lax.broadcasted_iota(jnp.int32, (NG, 1), 0)
    p = (batch_ref[...] == ids).astype(jnp.float32)
    sums = jnp.dot(p, a, preferred_element_type=jnp.float32)
    cnt = jnp.sum(p, axis=1, keepdims=True)
    pooled = sums / jnp.maximum(cnt, 1.0)
    o_ref[...] = jnp.dot(pooled, wlt_ref[...],
                         preferred_element_type=jnp.float32) + bl_ref[...]


_final_call = pl.pallas_call(
    _final_body,
    out_shape=jax.ShapeDtypeStruct((NG, D), jnp.float32),
)


def kernel(x, edge_index, batch, W1, b1, W2, b2, W3, b3, Wl, bl):
    xn = x.reshape(N, D)
    xp = jnp.concatenate([xn, jnp.zeros((NP - N, D), jnp.float32)], axis=0)
    padi = jnp.full((EP - E,), N, jnp.int32)
    srcp = jnp.concatenate([edge_index[0], padi]).reshape(NW, CPW, CHUNK)
    dstp = jnp.concatenate([edge_index[1], padi]).reshape(NW, CPW, CHUNK)
    batchp = jnp.concatenate(
        [batch, jnp.full((NP - N,), NG, jnp.int32)]).reshape(1, NP)

    degp = _deg_call()(dstp)
    h1 = _mm_call(xp, W1)
    t1, dinv_b = _scale_call(h1, degp)

    mp = _mp_call()
    s1 = mp(srcp, dstp, t1)
    t2 = _layer_call(s1, t1, dinv_b, b1.reshape(1, D), W2)
    s2 = mp(srcp, dstp, t2)
    t3 = _layer_call(s2, t2, dinv_b, b2.reshape(1, D), W3)
    s3 = mp(srcp, dstp, t3)

    return _final_call(s3, t3, dinv_b, b3.reshape(1, D), batchp,
                       Wl.T, bl.reshape(1, D))

# --- scband reference (transcript-rebuilt; emitter-appended) ---
"""Pipeline reference for scband-gcn-30391188586951 (READ-ONLY COPY).

The authoritative reference and input builder live on the scoring server;
editing this copy changes nothing except your own understanding.
"""

import jax, jax.numpy as jnp
import numpy as np

N = 10000
E = 320000
D = 128
H = 128
C = 128
B = 64


def gcn_conv(x, edge_index, W, b):
    n = x.shape[0]
    loop = jnp.arange(n, dtype=edge_index.dtype)
    src = jnp.concatenate([edge_index[0], loop])
    dst = jnp.concatenate([edge_index[1], loop])
    deg = jax.ops.segment_sum(jnp.ones_like(dst, dtype=x.dtype), dst, num_segments=n)
    dinv = jnp.where(deg > 0, jax.lax.rsqrt(jnp.maximum(deg, 1e-12)), 0.0)
    norm = dinv[src] * dinv[dst]
    h = x @ W
    msg = h[src] * norm[:, None]
    out = jax.ops.segment_sum(msg, dst, num_segments=n)
    return out + b


def global_mean_pool(x, batch, num_graphs):
    s = jax.ops.segment_sum(x, batch, num_segments=num_graphs)
    cnt = jax.ops.segment_sum(jnp.ones((x.shape[0], 1), x.dtype), batch, num_segments=num_graphs)
    return s / jnp.maximum(cnt, 1.0)


def setup_inputs(seed: int = 0):
    key = jax.random.key(seed)
    ks = jax.random.split(key, 12)
    x = jax.random.normal(ks[0], (D, N), dtype=jnp.float32)
    edge_index = jax.random.randint(ks[1], (2, E), 0, N, dtype=jnp.int32)
    batch = jnp.sort(jax.random.randint(ks[2], (N,), 0, B, dtype=jnp.int32))
    W1 = jax.random.normal(ks[3], (D, H), dtype=jnp.float32) / np.sqrt(D)
    b1 = jnp.zeros((H,), dtype=jnp.float32)
    W2 = jax.random.normal(ks[4], (H, H), dtype=jnp.float32) / np.sqrt(H)
    b2 = jnp.zeros((H,), dtype=jnp.float32)
    W3 = jax.random.normal(ks[5], (H, C), dtype=jnp.float32) / np.sqrt(H)
    b3 = jnp.zeros((C,), dtype=jnp.float32)
    Wl = jax.random.normal(ks[6], (C, H), dtype=jnp.float32) / np.sqrt(H)
    bl = jax.random.normal(ks[7], (C,), dtype=jnp.float32) * 0.01
    return {"x": x, "edge_index": edge_index, "batch": batch,
            "W1": W1, "b1": b1, "W2": W2, "b2": b2, "W3": W3, "b3": b3,
            "Wl": Wl, "bl": bl}


def reference(x, edge_index, batch, W1, b1, W2, b2, W3, b3, Wl, bl):
    # x arrives as [n_features, N]; x.view(-1, len(x)) -> [N, n_features]
    x = x.reshape(-1, x.shape[0])
    x = gcn_conv(x, edge_index, W1, b1)
    x = jax.nn.relu(x)
    x = gcn_conv(x, edge_index, W2, b2)
    x = jax.nn.relu(x)
    x = gcn_conv(x, edge_index, W3, b3)
    x = global_mean_pool(x, batch, B)
    # dropout is identity in eval mode
    x = jnp.squeeze(x)
    out = x @ Wl.T + bl
    return out

if __name__ == "__main__":
    import jax
    _d = setup_inputs()
    print(jax.jit(kernel)(*tuple(_d.values())))

</pallas_src>

<mosaic_0001>
#map = affine_map<(d0, d1) -> (0, 0, 0)>
module attributes {stable_mosaic.version = 14 : i64} {
  func.func @_deg_body(%arg0: i32, %arg1: i32, %arg2: memref<32x79x128xi32, #tpu.memory_space<hbm>>, %arg3: memref<2x10240x16xf32, #tpu.memory_space<hbm>>, %arg4: memref<79x128xi32, #tpu.memory_space<vmem>>, %arg5: memref<128x16xf32, #tpu.memory_space<vmem>>, %arg6: memref<10240x16xf32, #tpu.memory_space<vmem_shared>>) attributes {dimension_semantics = [#tpu.dimension_semantics<core_parallel>, #tpu.dimension_semantics<subcore_parallel>], iteration_bounds = array<i64: 2, 16>, scalar_prefetch = 0 : i64, scratch_operands = 3 : i64, tpu.core_type = #tpu.core_type<sc_vector_subcore>, window_params = [{transform_indices = #map}, {transform_indices = #map}]} {
    %mul3A = arith.constant 2 : i32
    %mul3A_0 = arith.muli %arg1, %mul3A : i32
    %add3A = arith.addi %mul3A_0, %arg0 : i32
    "tpu.region"() ({
      %run_scoped3A = tpu.sem_alloc : memref<!tpu.dma_semaphore, #tpu.memory_space<semaphore_mem>>
      %dma_start3A = arith.constant 0 : i32
      %dma_start3A_34 = arith.constant 0 : i32
      %dma_start3A_35 = tpu.memref_slice %arg2[%add3A, %dma_start3A, %dma_start3A_34] : memref<32x79x128xi32, #tpu.memory_space<hbm>> -> memref<1x79x128xi32, #tpu.memory_space<hbm>>
      %dma_start3A_36 = tpu.memref_squeeze %dma_start3A_35 : memref<1x79x128xi32, #tpu.memory_space<hbm>> -> memref<79x128xi32, #tpu.memory_space<hbm>>
      %dma_start3A_37 = arith.constant 0 : i32
      %dma_start3A_38 = arith.constant 0 : i32
      %dma_start3A_39 = tpu.memref_slice %arg2[%add3A, %dma_start3A_37, %dma_start3A_38] : memref<32x79x128xi32, #tpu.memory_space<hbm>> -> memref<1x79x128xi32, #tpu.memory_space<hbm>>
      %dma_start3A_40 = tpu.memref_squeeze %dma_start3A_39 : memref<1x79x128xi32, #tpu.memory_space<hbm>> -> memref<79x128xi32, #tpu.memory_space<hbm>>
      tpu.enqueue_dma source(%dma_start3A_40 : memref<79x128xi32, #tpu.memory_space<hbm>>) target(%arg4 : memref<79x128xi32, #tpu.memory_space<vmem>>) target_semaphore(%run_scoped3A : memref<!tpu.dma_semaphore, #tpu.memory_space<semaphore_mem>>)
      %dma_wait3A = arith.constant 0 : i32
      %dma_wait3A_41 = arith.constant 0 : i32
      %dma_wait3A_42 = tpu.memref_slice %arg2[%add3A, %dma_wait3A, %dma_wait3A_41] : memref<32x79x128xi32, #tpu.memory_space<hbm>> -> memref<1x79x128xi32, #tpu.memory_space<hbm>>
      %dma_wait3A_43 = tpu.memref_squeeze %dma_wait3A_42 : memref<1x79x128xi32, #tpu.memory_space<hbm>> -> memref<79x128xi32, #tpu.memory_space<hbm>>
      %dma_wait3A_44 = arith.constant 0 : i32
      %dma_wait3A_45 = arith.constant 0 : i32
      %dma_wait3A_46 = tpu.memref_slice %arg2[%add3A, %dma_wait3A_44, %dma_wait3A_45] : memref<32x79x128xi32, #tpu.memory_space<hbm>> -> memref<1x79x128xi32, #tpu.memory_space<hbm>>
      %dma_wait3A_47 = tpu.memref_squeeze %dma_wait3A_46 : memref<1x79x128xi32, #tpu.memory_space<hbm>> -> memref<79x128xi32, #tpu.memory_space<hbm>>
      tpu.wait_dma2 semaphore(%run_scoped3A : memref<!tpu.dma_semaphore, #tpu.memory_space<semaphore_mem>>) src(%dma_wait3A_47 : memref<79x128xi32, #tpu.memory_space<hbm>>) dst(%arg4 : memref<79x128xi32, #tpu.memory_space<vmem>>)
      tpu.yield
    }) : () -> ()
    %mul3A_1 = arith.constant 640 : i32
    %mul3A_2 = arith.muli %arg1, %mul3A_1 : i32
    %scan3A = arith.constant 0 : i32
    %scan3A_3 = arith.constant 0 : i32
    %scan3A_4 = arith.constant 128 : i32
    %scan3A_5 = arith.addi %scan3A_3, %scan3A_4 : i32
    %scan3A_6 = arith.constant 1 : i32
    %scan3A_7 = scf.for %scan3A_34 = %scan3A_3 to %scan3A_5 step %scan3A_6 iter_args(%scan3A_35 = %scan3A) -> (i32)  : i32 {
      %jit3A = arith.constant 1 : i32
      %div3A = arith.divsi %scan3A_34, %jit3A : i32
      %sign3A = arith.constant 0 : i32
      %sign3A_36 = arith.cmpi sgt, %scan3A_34, %sign3A : i32
      %sign3A_37 = arith.extui %sign3A_36 : i1 to i32
      %sign3A_38 = arith.constant 0 : i32
      %sign3A_39 = arith.cmpi slt, %scan3A_34, %sign3A_38 : i32
      %sign3A_40 = arith.extui %sign3A_39 : i1 to i32
      %sign3A_41 = arith.subi %sign3A_37, %sign3A_40 : i32
      %sign3A_42 = arith.constant 0 : i32
      %sign3A_43 = arith.cmpi sgt, %jit3A, %sign3A_42 : i32
      %sign3A_44 = arith.extui %sign3A_43 : i1 to i32
      %sign3A_45 = arith.constant 0 : i32
      %sign3A_46 = arith.cmpi slt, %jit3A, %sign3A_45 : i32
      %sign3A_47 = arith.extui %sign3A_46 : i1 to i32
      %sign3A_48 = arith.subi %sign3A_44, %sign3A_47 : i32
      %ne3A = arith.cmpi ne, %sign3A_41, %sign3A_48 : i32
      %rem3A = arith.remsi %scan3A_34, %jit3A : i32
      %ne3A_49 = arith.constant 0 : i32
      %ne3A_50 = arith.cmpi ne, %rem3A, %ne3A_49 : i32
      %and3A = arith.andi %ne3A, %ne3A_50 : i1
      %sub3A = arith.constant 1 : i32
      %sub3A_51 = arith.subi %div3A, %sub3A : i32
      %select_n3A = arith.select %and3A, %sub3A_51, %div3A : i32
      %jit3A_52 = arith.constant 1 : i32
      %eq3A = arith.constant 0 : i32
      %eq3A_53 = arith.cmpi eq, %jit3A_52, %eq3A : i32
      %jit3A_54 = arith.constant 1 : i32
      %select_n3A_55 = arith.select %eq3A_53, %jit3A_54, %jit3A_52 : i32
      %rem3A_56 = arith.remsi %scan3A_34, %select_n3A_55 : i32
      %ne3A_57 = arith.constant 0 : i32
      %ne3A_58 = arith.cmpi ne, %rem3A_56, %ne3A_57 : i32
      %lt3A = arith.constant 0 : i32
      %lt3A_59 = arith.cmpi slt, %rem3A_56, %lt3A : i32
      %lt3A_60 = arith.constant 0 : i32
      %lt3A_61 = arith.cmpi slt, %select_n3A_55, %lt3A_60 : i32
      %ne3A_62 = arith.xori %lt3A_59, %lt3A_61 : i1
      %and3A_63 = arith.andi %ne3A_62, %ne3A_58 : i1
      %add3A_64 = arith.addi %rem3A_56, %select_n3A_55 : i32
      %select_n3A_65 = arith.select %and3A_63, %add3A_64, %rem3A_56 : i32
      %mul3A_66 = arith.constant 16 : i32
      %mul3A_67 = arith.muli %select_n3A_65, %mul3A_66 : i32
      %broadcast_in_dim3A = arith.constant 0.000000e+00 : f32
      %broadcast_in_dim3A_68 = vector.broadcast %broadcast_in_dim3A : f32 to vector<16xf32>
      %swap3A = arith.index_cast %select_n3A : i32 to index
      %swap3A_69 = arith.index_cast %mul3A_67 : i32 to index
      %swap3A_70 = tpu.vector_load %arg5[%swap3A, %swap3A_69] {strides = array<i32>} : memref<128x16xf32, #tpu.memory_space<vmem>>, vector<1x16xf32>,
      %swap3A_71 = vector.shape_cast %swap3A_70 : vector<1x16xf32> to vector<16xf32>
      %swap3A_72 = vector.shape_cast %broadcast_in_dim3A_68 : vector<16xf32> to vector<1x16xf32>
      tpu.vector_store %arg5[%swap3A, %swap3A_69], %swap3A_72 {strides = array<i32>} : memref<128x16xf32, #tpu.memory_space<vmem>>, vector<1x16xf32>,
      %scan3A_73 = arith.constant 0 : i32
      scf.yield %scan3A_73 : i32
    }
    %scan3A_8 = arith.constant 128 : i32
    %add3A_9 = arith.constant 0 : i32
    %add3A_10 = arith.addi %mul3A_2, %add3A_9 : i32
    "tpu.region"() ({
      %run_scoped3A = tpu.sem_alloc : memref<!tpu.dma_semaphore, #tpu.memory_space<semaphore_mem>>
      %dma_start3A = arith.constant 0 : i32
      %dma_start3A_34 = tpu.memref_slice %arg6[%add3A_10, %dma_start3A] : memref<10240x16xf32, #tpu.memory_space<vmem_shared>> -> memref<128x16xf32, #tpu.memory_space<vmem_shared>>
      %dma_start3A_35 = arith.constant 0 : i32
      %dma_start3A_36 = tpu.memref_slice %arg6[%add3A_10, %dma_start3A_35] : memref<10240x16xf32, #tpu.memory_space<vmem_shared>> -> memref<128x16xf32, #tpu.memory_space<vmem_shared>>
      tpu.enqueue_dma source(%arg5 : memref<128x16xf32, #tpu.memory_space<vmem>>) target(%dma_start3A_36 : memref<128x16xf32, #tpu.memory_space<vmem_shared>>) target_semaphore(%run_scoped3A : memref<!tpu.dma_semaphore, #tpu.memory_space<semaphore_mem>>)
      %dma_wait3A = arith.constant 0 : i32
      %dma_wait3A_37 = tpu.memref_slice %arg6[%add3A_10, %dma_wait3A] : memref<10240x16xf32, #tpu.memory_space<vmem_shared>> -> memref<128x16xf32, #tpu.memory_space<vmem_shared>>
      %dma_wait3A_38 = arith.constant 0 : i32
      %dma_wait3A_39 = tpu.memref_slice %arg6[%add3A_10, %dma_wait3A_38] : memref<10240x16xf32, #tpu.memory_space<vmem_shared>> -> memref<128x16xf32, #tpu.memory_space<vmem_shared>>
      tpu.wait_dma2 semaphore(%run_scoped3A : memref<!tpu.dma_semaphore, #tpu.memory_space<semaphore_mem>>) src(%arg5 : memref<128x16xf32, #tpu.memory_space<vmem>>) dst(%dma_wait3A_39 : memref<128x16xf32, #tpu.memory_space<vmem_shared>>)
      tpu.yield
    }) : () -> ()
    %add3A_11 = arith.constant 128 : i32
    %add3A_12 = arith.addi %mul3A_2, %add3A_11 : i32
    "tpu.region"() ({
      %run_scoped3A = tpu.sem_alloc : memref<!tpu.dma_semaphore, #tpu.memory_space<semaphore_mem>>
      %dma_start3A = arith.constant 0 : i32
      %dma_start3A_34 = tpu.memref_slice %arg6[%add3A_12, %dma_start3A] : memref<10240x16xf32, #tpu.memory_space<vmem_shared>> -> memref<128x16xf32, #tpu.memory_space<vmem_shared>>
      %dma_start3A_35 = arith.constant 0 : i32
      %dma_start3A_36 = tpu.memref_slice %arg6[%add3A_12, %dma_start3A_35] : memref<10240x16xf32, #tpu.memory_space<vmem_shared>> -> memref<128x16xf32, #tpu.memory_space<vmem_shared>>
      tpu.enqueue_dma source(%arg5 : memref<128x16xf32, #tpu.memory_space<vmem>>) target(%dma_start3A_36 : memref<128x16xf32, #tpu.memory_space<vmem_shared>>) target_semaphore(%run_scoped3A : memref<!tpu.dma_semaphore, #tpu.memory_space<semaphore_mem>>)
      %dma_wait3A = arith.constant 0 : i32
      %dma_wait3A_37 = tpu.memref_slice %arg6[%add3A_12, %dma_wait3A] : memref<10240x16xf32, #tpu.memory_space<vmem_shared>> -> memref<128x16xf32, #tpu.memory_space<vmem_shared>>
      %dma_wait3A_38 = arith.constant 0 : i32
      %dma_wait3A_39 = tpu.memref_slice %arg6[%add3A_12, %dma_wait3A_38] : memref<10240x16xf32, #tpu.memory_space<vmem_shared>> -> memref<128x16xf32, #tpu.memory_space<vmem_shared>>
      tpu.wait_dma2 semaphore(%run_scoped3A : memref<!tpu.dma_semaphore, #tpu.memory_space<semaphore_mem>>) src(%arg5 : memref<128x16xf32, #tpu.memory_space<vmem>>) dst(%dma_wait3A_39 : memref<128x16xf32, #tpu.memory_space<vmem_shared>>)
      tpu.yield
    }) : () -> ()
    %add3A_13 = arith.constant 256 : i32
    %add3A_14 = arith.addi %mul3A_2, %add3A_13 : i32
    "tpu.region"() ({
      %run_scoped3A = tpu.sem_alloc : memref<!tpu.dma_semaphore, #tpu.memory_space<semaphore_mem>>
      %dma_start3A = arith.constant 0 : i32
      %dma_start3A_34 = tpu.memref_slice %arg6[%add3A_14, %dma_start3A] : memref<10240x16xf32, #tpu.memory_space<vmem_shared>> -> memref<128x16xf32, #tpu.memory_space<vmem_shared>>
      %dma_start3A_35 = arith.constant 0 : i32
      %dma_start3A_36 = tpu.memref_slice %arg6[%add3A_14, %dma_start3A_35] : memref<10240x16xf32, #tpu.memory_space<vmem_shared>> -> memref<128x16xf32, #tpu.memory_space<vmem_shared>>
      tpu.enqueue_dma source(%arg5 : memref<128x16xf32, #tpu.memory_space<vmem>>) target(%dma_start3A_36 : memref<128x16xf32, #tpu.memory_space<vmem_shared>>) target_semaphore(%run_scoped3A : memref<!tpu.dma_semaphore, #tpu.memory_space<semaphore_mem>>)
      %dma_wait3A = arith.constant 0 : i32
      %dma_wait3A_37 = tpu.memref_slice %arg6[%add3A_14, %dma_wait3A] : memref<10240x16xf32, #tpu.memory_space<vmem_shared>> -> memref<128x16xf32, #tpu.memory_space<vmem_shared>>
      %dma_wait3A_38 = arith.constant 0 : i32
      %dma_wait3A_39 = tpu.memref_slice %arg6[%add3A_14, %dma_wait3A_38] : memref<10240x16xf32, #tpu.memory_space<vmem_shared>> -> memref<128x16xf32, #tpu.memory_space<vmem_shared>>
      tpu.wait_dma2 semaphore(%run_scoped3A : memref<!tpu.dma_semaphore, #tpu.memory_space<semaphore_mem>>) src(%arg5 : memref<128x16xf32, #tpu.memory_space<vmem>>) dst(%dma_wait3A_39 : memref<128x16xf32, #tpu.memory_space<vmem_shared>>)
      tpu.yield
    }) : () -> ()
    %add3A_15 = arith.constant 384 : i32
    %add3A_16 = arith.addi %mul3A_2, %add3A_15 : i32
    "tpu.region"() ({
      %run_scoped3A = tpu.sem_alloc : memref<!tpu.dma_semaphore, #tpu.memory_space<semaphore_mem>>
      %dma_start3A = arith.constant 0 : i32
      %dma_start3A_34 = tpu.memref_slice %arg6[%add3A_16, %dma_start3A] : memref<10240x16xf32, #tpu.memory_space<vmem_shared>> -> memref<128x16xf32, #tpu.memory_space<vmem_shared>>
      %dma_start3A_35 = arith.constant 0 : i32
      %dma_start3A_36 = tpu.memref_slice %arg6[%add3A_16, %dma_start3A_35] : memref<10240x16xf32, #tpu.memory_space<vmem_shared>> -> memref<128x16xf32, #tpu.memory_space<vmem_shared>>
      tpu.enqueue_dma source(%arg5 : memref<128x16xf32, #tpu.memory_space<vmem>>) target(%dma_start3A_36 : memref<128x16xf32, #tpu.memory_space<vmem_shared>>) target_semaphore(%run_scoped3A : memref<!tpu.dma_semaphore, #tpu.memory_space<semaphore_mem>>)
      %dma_wait3A = arith.constant 0 : i32
      %dma_wait3A_37 = tpu.memref_slice %arg6[%add3A_16, %dma_wait3A] : memref<10240x16xf32, #tpu.memory_space<vmem_shared>> -> memref<128x16xf32, #tpu.memory_space<vmem_shared>>
      %dma_wait3A_38 = arith.constant 0 : i32
      %dma_wait3A_39 = tpu.memref_slice %arg6[%add3A_16, %dma_wait3A_38] : memref<10240x16xf32, #tpu.memory_space<vmem_shared>> -> memref<128x16xf32, #tpu.memory_space<vmem_shared>>
      tpu.wait_dma2 semaphore(%run_scoped3A : memref<!tpu.dma_semaphore, #tpu.memory_space<semaphore_mem>>) src(%arg5 : memref<128x16xf32, #tpu.memory_space<vmem>>) dst(%dma_wait3A_39 : memref<128x16xf32, #tpu.memory_space<vmem_shared>>)
      tpu.yield
    }) : () -> ()
    %add3A_17 = arith.constant 512 : i32
    %add3A_18 = arith.addi %mul3A_2, %add3A_17 : i32
    "tpu.region"() ({
      %run_scoped3A = tpu.sem_alloc : memref<!tpu.dma_semaphore, #tpu.memory_space<semaphore_mem>>
      %dma_start3A = arith.constant 0 : i32
      %dma_start3A_34 = tpu.memref_slice %arg6[%add3A_18, %dma_start3A] : memref<10240x16xf32, #tpu.memory_space<vmem_shared>> -> memref<128x16xf32, #tpu.memory_space<vmem_shared>>
      %dma_start3A_35 = arith.constant 0 : i32
      %dma_start3A_36 = tpu.memref_slice %arg6[%add3A_18, %dma_start3A_35] : memref<10240x16xf32, #tpu.memory_space<vmem_shared>> -> memref<128x16xf32, #tpu.memory_space<vmem_shared>>
      tpu.enqueue_dma source(%arg5 : memref<128x16xf32, #tpu.memory_space<vmem>>) target(%dma_start3A_36 : memref<128x16xf32, #tpu.memory_space<vmem_shared>>) target_semaphore(%run_scoped3A : memref<!tpu.dma_semaphore, #tpu.memory_space<semaphore_mem>>)
      %dma_wait3A = arith.constant 0 : i32
      %dma_wait3A_37 = tpu.memref_slice %arg6[%add3A_18, %dma_wait3A] : memref<10240x16xf32, #tpu.memory_space<vmem_shared>> -> memref<128x16xf32, #tpu.memory_space<vmem_shared>>
      %dma_wait3A_38 = arith.constant 0 : i32
      %dma_wait3A_39 = tpu.memref_slice %arg6[%add3A_18, %dma_wait3A_38] : memref<10240x16xf32, #tpu.memory_space<vmem_shared>> -> memref<128x16xf32, #tpu.memory_space<vmem_shared>>
      tpu.wait_dma2 semaphore(%run_scoped3A : memref<!tpu.dma_semaphore, #tpu.memory_space<semaphore_mem>>) src(%arg5 : memref<128x16xf32, #tpu.memory_space<vmem>>) dst(%dma_wait3A_39 : memref<128x16xf32, #tpu.memory_space<vmem_shared>>)
      tpu.yield
    }) : () -> ()
    %scan3A_19 = arith.constant 0 : i32
    %scan3A_20 = arith.constant 0 : i32
    %scan3A_21 = arith.constant 128 : i32
    %scan3A_22 = arith.addi %scan3A_20, %scan3A_21 : i32
    %scan3A_23 = arith.constant 1 : i32
    %scan3A_24 = scf.for %scan3A_34 = %scan3A_20 to %scan3A_22 step %scan3A_23 iter_args(%scan3A_35 = %scan3A_19) -> (i32)  : i32 {
      %broadcast_in_dim3A = arith.constant 1.000000e+00 : f32
      %broadcast_in_dim3A_36 = vector.broadcast %broadcast_in_dim3A : f32 to vector<16xf32>
      %swap3A = arith.index_cast %scan3A_34 : i32 to index
      %swap3A_37 = arith.constant 0 : index
      %swap3A_38 = tpu.vector_load %arg5[%swap3A, %swap3A_37] {strides = array<i32>} : memref<128x16xf32, #tpu.memory_space<vmem>>, vector<1x16xf32>,
      %swap3A_39 = vector.shape_cast %swap3A_38 : vector<1x16xf32> to vector<16xf32>
      %swap3A_40 = vector.shape_cast %broadcast_in_dim3A_36 : vector<16xf32> to vector<1x16xf32>
      tpu.vector_store %arg5[%swap3A, %swap3A_37], %swap3A_40 {strides = array<i32>} : memref<128x16xf32, #tpu.memory_space<vmem>>, vector<1x16xf32>,
      %scan3A_41 = arith.constant 0 : i32
      scf.yield %scan3A_41 : i32
    }
    %scan3A_25 = arith.constant 128 : i32
    %barrier3A = arith.constant 0 : index
    tpu.barrier barrier_id(%barrier3A)
    %scan3A_26 = arith.constant 0 : i32
    %scan3A_27 = arith.constant 0 : i32
    %scan3A_28 = arith.constant 79 : i32
    %scan3A_29 = arith.addi %scan3A_27, %scan3A_28 : i32
    %scan3A_30 = arith.constant 1 : i32
    %scan3A_31 = scf.for %scan3A_34 = %scan3A_27 to %scan3A_29 step %scan3A_30 iter_args(%scan3A_35 = %scan3A_26) -> (i32)  : i32 {
      "tpu.region"() ({
        %run_scoped3A = tpu.sem_alloc : memref<!tpu.dma_semaphore, #tpu.memory_space<semaphore_mem>>
        %dma_start3A = arith.constant 0 : i32
        %dma_start3A_37 = tpu.memref_slice %arg4[%scan3A_34, %dma_start3A] : memref<79x128xi32, #tpu.memory_space<vmem>> -> memref<1x128xi32, #tpu.memory_space<vmem>>
        %dma_start3A_38 = tpu.memref_squeeze %dma_start3A_37 : memref<1x128xi32, #tpu.memory_space<vmem>> -> memref<128xi32, #tpu.memory_space<vmem>>
        %dma_start3A_39 = arith.constant 0 : i32
        %dma_start3A_40 = arith.constant 0 : i32
        %dma_start3A_41 = tpu.memref_slice %arg6[%dma_start3A_39, %dma_start3A_40] : memref<10240x16xf32, #tpu.memory_space<vmem_shared>> -> memref<10240x16xf32, #tpu.memory_space<vmem_shared>>
        tpu.enqueue_indirect_dma source(%arg5 : memref<128x16xf32, #tpu.memory_space<vmem>>) target(%dma_start3A_41 : memref<10240x16xf32, #tpu.memory_space<vmem_shared>>) offsets(%dma_start3A_38 : memref<128xi32, #tpu.memory_space<vmem>>) semaphore(%run_scoped3A : memref<!tpu.dma_semaphore, #tpu.memory_space<semaphore_mem>>) {add = true}
        %dma_wait3A = arith.constant 0 : i32
        %dma_wait3A_42 = tpu.memref_slice %arg4[%scan3A_34, %dma_wait3A] : memref<79x128xi32, #tpu.memory_space<vmem>> -> memref<1x128xi32, #tpu.memory_space<vmem>>
        %dma_wait3A_43 = tpu.memref_squeeze %dma_wait3A_42 : memref<1x128xi32, #tpu.memory_space<vmem>> -> memref<128xi32, #tpu.memory_space<vmem>>
        %dma_wait3A_44 = arith.constant 0 : i32
        %dma_wait3A_45 = arith.constant 0 : i32
        %dma_wait3A_46 = tpu.memref_slice %arg6[%dma_wait3A_44, %dma_wait3A_45] : memref<10240x16xf32, #tpu.memory_space<vmem_shared>> -> memref<10240x16xf32, #tpu.memory_space<vmem_shared>>
        tpu.wait_indirect_dma semaphore(%run_scoped3A : memref<!tpu.dma_semaphore, #tpu.memory_space<semaphore_mem>>) src(%arg5 : memref<128x16xf32, #tpu.memory_space<vmem>>) dst(%dma_wait3A_46 : memref<10240x16xf32, #tpu.memory_space<vmem_shared>>)
        tpu.yield
      }) : () -> ()
      %scan3A_36 = arith.constant 0 : i32
      scf.yield %scan3A_36 : i32
    }
    %scan3A_32 = arith.constant 79 : i32
    %barrier3A_33 = arith.constant 0 : index
    tpu.barrier barrier_id(%barrier3A_33)
    "tpu.region"() ({
      %run_scoped3A = tpu.sem_alloc : memref<!tpu.dma_semaphore, #tpu.memory_space<semaphore_mem>>
      %dma_start3A = arith.constant 0 : i32
      %dma_start3A_34 = arith.constant 0 : i32
      %dma_start3A_35 = tpu.memref_slice %arg3[%arg0, %dma_start3A, %dma_start3A_34] : memref<2x10240x16xf32, #tpu.memory_space<hbm>> -> memref<1x10240x16xf32, #tpu.memory_space<hbm>>
      %dma_start3A_36 = tpu.memref_squeeze %dma_start3A_35 : memref<1x10240x16xf32, #tpu.memory_space<hbm>> -> memref<10240x16xf32, #tpu.memory_space<hbm>>
      %dma_start3A_37 = arith.constant 0 : i32
      %dma_start3A_38 = tpu.memref_slice %dma_start3A_36[%mul3A_2, %dma_start3A_37] : memref<10240x16xf32, #tpu.memory_space<hbm>> -> memref<640x16xf32, #tpu.memory_space<hbm>>
      %dma_start3A_39 = arith.constant 0 : i32
      %dma_start3A_40 = tpu.memref_slice %arg6[%mul3A_2, %dma_start3A_39] : memref<10240x16xf32, #tpu.memory_space<vmem_shared>> -> memref<640x16xf32, #tpu.memory_space<vmem_shared>>
      tpu.enqueue_dma source(%dma_start3A_40 : memref<640x16xf32, #tpu.memory_space<vmem_shared>>) target(%dma_start3A_38 : memref<640x16xf32, #tpu.memory_space<hbm>>) target_semaphore(%run_scoped3A : memref<!tpu.dma_semaphore, #tpu.memory_space<semaphore_mem>>)
      %dma_wait3A = arith.constant 0 : i32
      %dma_wait3A_41 = arith.constant 0 : i32
      %dma_wait3A_42 = tpu.memref_slice %arg3[%arg0, %dma_wait3A, %dma_wait3A_41] : memref<2x10240x16xf32, #tpu.memory_space<hbm>> -> memref<1x10240x16xf32, #tpu.memory_space<hbm>>
      %dma_wait3A_43 = tpu.memref_squeeze %dma_wait3A_42 : memref<1x10240x16xf32, #tpu.memory_space<hbm>> -> memref<10240x16xf32, #tpu.memory_space<hbm>>
      %dma_wait3A_44 = arith.constant 0 : i32
      %dma_wait3A_45 = tpu.memref_slice %dma_wait3A_43[%mul3A_2, %dma_wait3A_44] : memref<10240x16xf32, #tpu.memory_space<hbm>> -> memref<640x16xf32, #tpu.memory_space<hbm>>
      %dma_wait3A_46 = arith.constant 0 : i32
      %dma_wait3A_47 = tpu.memref_slice %arg6[%mul3A_2, %dma_wait3A_46] : memref<10240x16xf32, #tpu.memory_space<vmem_shared>> -> memref<640x16xf32, #tpu.memory_space<vmem_shared>>
      tpu.wait_dma2 semaphore(%run_scoped3A : memref<!tpu.dma_semaphore, #tpu.memory_space<semaphore_mem>>) src(%dma_wait3A_47 : memref<640x16xf32, #tpu.memory_space<vmem_shared>>) dst(%dma_wait3A_45 : memref<640x16xf32, #tpu.memory_space<hbm>>)
      tpu.yield
    }) : () -> ()
    return
  }
}

#map = affine_map<(d0, d1) -> (0, 0, 0)>
#map1 = affine_map<(d0, d1) -> (0, 0)>
module attributes {stable_mosaic.version = 14 : i64} {
  func.func @_mp_body(%arg0: i32, %arg1: i32, %arg2: memref<32x79x128xi32, #tpu.memory_space<hbm>>, %arg3: memref<32x79x128xi32, #tpu.memory_space<hbm>>, %arg4: memref<10240x128xf32, #tpu.memory_space<hbm>>, %arg5: memref<2x10240x128xf32, #tpu.memory_space<hbm>>, %arg6: memref<79x128xi32, #tpu.memory_space<vmem>>, %arg7: memref<79x128xi32, #tpu.memory_space<vmem>>, %arg8: memref<128x128xf32, #tpu.memory_space<vmem>>, %arg9: memref<10240x128xf32, #tpu.memory_space<vmem_shared>>, %arg10: memref<!tpu.dma_semaphore, #tpu.memory_space<semaphore_mem>>) attributes {dimension_semantics = [#tpu.dimension_semantics<core_parallel>, #tpu.dimension_semantics<subcore_parallel>], iteration_bounds = array<i64: 2, 16>, scalar_prefetch = 0 : i64, scratch_operands = 5 : i64, tpu.core_type = #tpu.core_type<sc_vector_subcore>, window_params = [{transform_indices = #map}, {transform_indices = #map}, {transform_indices = #map1}, {transform_indices = #map}]} {
    %mul3A = arith.constant 2 : i32
    %mul3A_0 = arith.muli %arg1, %mul3A : i32
    %add3A = arith.addi %mul3A_0, %arg0 : i32
    "tpu.region"() ({
      %run_scoped3A = tpu.sem_alloc : memref<!tpu.dma_semaphore, #tpu.memory_space<semaphore_mem>>
      %dma_start3A = arith.constant 0 : i32
      %dma_start3A_27 = arith.constant 0 : i32
      %dma_start3A_28 = tpu.memref_slice %arg2[%add3A, %dma_start3A, %dma_start3A_27] : memref<32x79x128xi32, #tpu.memory_space<hbm>> -> memref<1x79x128xi32, #tpu.memory_space<hbm>>
      %dma_start3A_29 = tpu.memref_squeeze %dma_start3A_28 : memref<1x79x128xi32, #tpu.memory_space<hbm>> -> memref<79x128xi32, #tpu.memory_space<hbm>>
      %dma_start3A_30 = arith.constant 0 : i32
      %dma_start3A_31 = arith.constant 0 : i32
      %dma_start3A_32 = tpu.memref_slice %arg2[%add3A, %dma_start3A_30, %dma_start3A_31] : memref<32x79x128xi32, #tpu.memory_space<hbm>> -> memref<1x79x128xi32, #tpu.memory_space<hbm>>
      %dma_start3A_33 = tpu.memref_squeeze %dma_start3A_32 : memref<1x79x128xi32, #tpu.memory_space<hbm>> -> memref<79x128xi32, #tpu.memory_space<hbm>>
      tpu.enqueue_dma source(%dma_start3A_33 : memref<79x128xi32, #tpu.memory_space<hbm>>) target(%arg6 : memref<79x128xi32, #tpu.memory_space<vmem>>) target_semaphore(%run_scoped3A : memref<!tpu.dma_semaphore, #tpu.memory_space<semaphore_mem>>)
      %dma_wait3A = arith.constant 0 : i32
      %dma_wait3A_34 = arith.constant 0 : i32
      %dma_wait3A_35 = tpu.memref_slice %arg2[%add3A, %dma_wait3A, %dma_wait3A_34] : memref<32x79x128xi32, #tpu.memory_space<hbm>> -> memref<1x79x128xi32, #tpu.memory_space<hbm>>
      %dma_wait3A_36 = tpu.memref_squeeze %dma_wait3A_35 : memref<1x79x128xi32, #tpu.memory_space<hbm>> -> memref<79x128xi32, #tpu.memory_space<hbm>>
      %dma_wait3A_37 = arith.constant 0 : i32
      %dma_wait3A_38 = arith.constant 0 : i32
      %dma_wait3A_39 = tpu.memref_slice %arg2[%add3A, %dma_wait3A_37, %dma_wait3A_38] : memref<32x79x128xi32, #tpu.memory_space<hbm>> -> memref<1x79x128xi32, #tpu.memory_space<hbm>>
      %dma_wait3A_40 = tpu.memref_squeeze %dma_wait3A_39 : memref<1x79x128xi32, #tpu.memory_space<hbm>> -> memref<79x128xi32, #tpu.memory_space<hbm>>
      tpu.wait_dma2 semaphore(%run_scoped3A : memref<!tpu.dma_semaphore, #tpu.memory_space<semaphore_mem>>) src(%dma_wait3A_40 : memref<79x128xi32, #tpu.memory_space<hbm>>) dst(%arg6 : memref<79x128xi32, #tpu.memory_space<vmem>>)
      tpu.yield
    }) : () -> ()
    "tpu.region"() ({
      %run_scoped3A = tpu.sem_alloc : memref<!tpu.dma_semaphore, #tpu.memory_space<semaphore_mem>>
      %dma_start3A = arith.constant 0 : i32
      %dma_start3A_27 = arith.constant 0 : i32
      %dma_start3A_28 = tpu.memref_slice %arg3[%add3A, %dma_start3A, %dma_start3A_27] : memref<32x79x128xi32, #tpu.memory_space<hbm>> -> memref<1x79x128xi32, #tpu.memory_space<hbm>>
      %dma_start3A_29 = tpu.memref_squeeze %dma_start3A_28 : memref<1x79x128xi32, #tpu.memory_space<hbm>> -> memref<79x128xi32, #tpu.memory_space<hbm>>
      %dma_start3A_30 = arith.constant 0 : i32
      %dma_start3A_31 = arith.constant 0 : i32
      %dma_start3A_32 = tpu.memref_slice %arg3[%add3A, %dma_start3A_30, %dma_start3A_31] : memref<32x79x128xi32, #tpu.memory_space<hbm>> -> memref<1x79x128xi32, #tpu.memory_space<hbm>>
      %dma_start3A_33 = tpu.memref_squeeze %dma_start3A_32 : memref<1x79x128xi32, #tpu.memory_space<hbm>> -> memref<79x128xi32, #tpu.memory_space<hbm>>
      tpu.enqueue_dma source(%dma_start3A_33 : memref<79x128xi32, #tpu.memory_space<hbm>>) target(%arg7 : memref<79x128xi32, #tpu.memory_space<vmem>>) target_semaphore(%run_scoped3A : memref<!tpu.dma_semaphore, #tpu.memory_space<semaphore_mem>>)
      %dma_wait3A = arith.constant 0 : i32
      %dma_wait3A_34 = arith.constant 0 : i32
      %dma_wait3A_35 = tpu.memref_slice %arg3[%add3A, %dma_wait3A, %dma_wait3A_34] : memref<32x79x128xi32, #tpu.memory_space<hbm>> -> memref<1x79x128xi32, #tpu.memory_space<hbm>>
      %dma_wait3A_36 = tpu.memref_squeeze %dma_wait3A_35 : memref<1x79x128xi32, #tpu.memory_space<hbm>> -> memref<79x128xi32, #tpu.memory_space<hbm>>
      %dma_wait3A_37 = arith.constant 0 : i32
      %dma_wait3A_38 = arith.constant 0 : i32
      %dma_wait3A_39 = tpu.memref_slice %arg3[%add3A, %dma_wait3A_37, %dma_wait3A_38] : memref<32x79x128xi32, #tpu.memory_space<hbm>> -> memref<1x79x128xi32, #tpu.memory_space<hbm>>
      %dma_wait3A_40 = tpu.memref_squeeze %dma_wait3A_39 : memref<1x79x128xi32, #tpu.memory_space<hbm>> -> memref<79x128xi32, #tpu.memory_space<hbm>>
      tpu.wait_dma2 semaphore(%run_scoped3A : memref<!tpu.dma_semaphore, #tpu.memory_space<semaphore_mem>>) src(%dma_wait3A_40 : memref<79x128xi32, #tpu.memory_space<hbm>>) dst(%arg7 : memref<79x128xi32, #tpu.memory_space<vmem>>)
      tpu.yield
    }) : () -> ()
    %scan3A = arith.constant 0 : i32
    %scan3A_1 = arith.constant 0 : i32
    %scan3A_2 = arith.constant 1024 : i32
    %scan3A_3 = arith.addi %scan3A_1, %scan3A_2 : i32
    %scan3A_4 = arith.constant 1 : i32
    %scan3A_5 = scf.for %scan3A_27 = %scan3A_1 to %scan3A_3 step %scan3A_4 iter_args(%scan3A_28 = %scan3A) -> (i32)  : i32 {
      %jit3A = arith.constant 8 : i32
      %div3A = arith.divsi %scan3A_27, %jit3A : i32
      %sign3A = arith.constant 0 : i32
      %sign3A_29 = arith.cmpi sgt, %scan3A_27, %sign3A : i32
      %sign3A_30 = arith.extui %sign3A_29 : i1 to i32
      %sign3A_31 = arith.constant 0 : i32
      %sign3A_32 = arith.cmpi slt, %scan3A_27, %sign3A_31 : i32
      %sign3A_33 = arith.extui %sign3A_32 : i1 to i32
      %sign3A_34 = arith.subi %sign3A_30, %sign3A_33 : i32
      %sign3A_35 = arith.constant 0 : i32
      %sign3A_36 = arith.cmpi sgt, %jit3A, %sign3A_35 : i32
      %sign3A_37 = arith.extui %sign3A_36 : i1 to i32
      %sign3A_38 = arith.constant 0 : i32
      %sign3A_39 = arith.cmpi slt, %jit3A, %sign3A_38 : i32
      %sign3A_40 = arith.extui %sign3A_39 : i1 to i32
      %sign3A_41 = arith.subi %sign3A_37, %sign3A_40 : i32
      %ne3A = arith.cmpi ne, %sign3A_34, %sign3A_41 : i32
      %rem3A = arith.remsi %scan3A_27, %jit3A : i32
      %ne3A_42 = arith.constant 0 : i32
      %ne3A_43 = arith.cmpi ne, %rem3A, %ne3A_42 : i32
      %and3A = arith.andi %ne3A, %ne3A_43 : i1
      %sub3A = arith.constant 1 : i32
      %sub3A_44 = arith.subi %div3A, %sub3A : i32
      %select_n3A = arith.select %and3A, %sub3A_44, %div3A : i32
      %jit3A_45 = arith.constant 8 : i32
      %eq3A = arith.constant 0 : i32
      %eq3A_46 = arith.cmpi eq, %jit3A_45, %eq3A : i32
      %jit3A_47 = arith.constant 1 : i32
      %select_n3A_48 = arith.select %eq3A_46, %jit3A_47, %jit3A_45 : i32
      %rem3A_49 = arith.remsi %scan3A_27, %select_n3A_48 : i32
      %ne3A_50 = arith.constant 0 : i32
      %ne3A_51 = arith.cmpi ne, %rem3A_49, %ne3A_50 : i32
      %lt3A = arith.constant 0 : i32
      %lt3A_52 = arith.cmpi slt, %rem3A_49, %lt3A : i32
      %lt3A_53 = arith.constant 0 : i32
      %lt3A_54 = arith.cmpi slt, %select_n3A_48, %lt3A_53 : i32
      %ne3A_55 = arith.xori %lt3A_52, %lt3A_54 : i1
      %and3A_56 = arith.andi %ne3A_55, %ne3A_51 : i1
      %add3A_57 = arith.addi %rem3A_49, %select_n3A_48 : i32
      %select_n3A_58 = arith.select %and3A_56, %add3A_57, %rem3A_49 : i32
      %mul3A_59 = arith.constant 16 : i32
      %mul3A_60 = arith.muli %select_n3A_58, %mul3A_59 : i32
      %broadcast_in_dim3A = arith.constant 0.000000e+00 : f32
      %broadcast_in_dim3A_61 = vector.broadcast %broadcast_in_dim3A : f32 to vector<16xf32>
      %swap3A = arith.index_cast %select_n3A : i32 to index
      %swap3A_62 = arith.index_cast %mul3A_60 : i32 to index
      %swap3A_63 = tpu.vector_load %arg8[%swap3A, %swap3A_62] {strides = array<i32>} : memref<128x128xf32, #tpu.memory_space<vmem>>, vector<1x16xf32>,
      %swap3A_64 = vector.shape_cast %swap3A_63 : vector<1x16xf32> to vector<16xf32>
      %swap3A_65 = vector.shape_cast %broadcast_in_dim3A_61 : vector<16xf32> to vector<1x16xf32>
      tpu.vector_store %arg8[%swap3A, %swap3A_62], %swap3A_65 {strides = array<i32>} : memref<128x128xf32, #tpu.memory_space<vmem>>, vector<1x16xf32>,
      %scan3A_66 = arith.constant 0 : i32
      scf.yield %scan3A_66 : i32
    }
    %scan3A_6 = arith.constant 1024 : i32
    %mul3A_7 = arith.constant 640 : i32
    %mul3A_8 = arith.muli %arg1, %mul3A_7 : i32
    %add3A_9 = arith.constant 0 : i32
    %add3A_10 = arith.addi %mul3A_8, %add3A_9 : i32
    "tpu.region"() ({
      %run_scoped3A = tpu.sem_alloc : memref<!tpu.dma_semaphore, #tpu.memory_space<semaphore_mem>>
      %dma_start3A = arith.constant 0 : i32
      %dma_start3A_27 = tpu.memref_slice %arg9[%add3A_10, %dma_start3A] : memref<10240x128xf32, #tpu.memory_space<vmem_shared>> -> memref<128x128xf32, #tpu.memory_space<vmem_shared>>
      %dma_start3A_28 = arith.constant 0 : i32
      %dma_start3A_29 = tpu.memref_slice %arg9[%add3A_10, %dma_start3A_28] : memref<10240x128xf32, #tpu.memory_space<vmem_shared>> -> memref<128x128xf32, #tpu.memory_space<vmem_shared>>
      tpu.enqueue_dma source(%arg8 : memref<128x128xf32, #tpu.memory_space<vmem>>) target(%dma_start3A_29 : memref<128x128xf32, #tpu.memory_space<vmem_shared>>) target_semaphore(%run_scoped3A : memref<!tpu.dma_semaphore, #tpu.memory_space<semaphore_mem>>)
      %dma_wait3A = arith.constant 0 : i32
      %dma_wait3A_30 = tpu.memref_slice %arg9[%add3A_10, %dma_wait3A] : memref<10240x128xf32, #tpu.memory_space<vmem_shared>> -> memref<128x128xf32, #tpu.memory_space<vmem_shared>>
      %dma_wait3A_31 = arith.constant 0 : i32
      %dma_wait3A_32 = tpu.memref_slice %arg9[%add3A_10, %dma_wait3A_31] : memref<10240x128xf32, #tpu.memory_space<vmem_shared>> -> memref<128x128xf32, #tpu.memory_space<vmem_shared>>
      tpu.wait_dma2 semaphore(%run_scoped3A : memref<!tpu.dma_semaphore, #tpu.memory_space<semaphore_mem>>) src(%arg8 : memref<128x128xf32, #tpu.memory_space<vmem>>) dst(%dma_wait3A_32 : memref<128x128xf32, #tpu.memory_space<vmem_shared>>)
      tpu.yield
    }) : () -> ()
    %add3A_11 = arith.constant 128 : i32
    %add3A_12 = arith.addi %mul3A_8, %add3A_11 : i32
    "tpu.region"() ({
      %run_scoped3A = tpu.sem_alloc : memref<!tpu.dma_semaphore, #tpu.memory_space<semaphore_mem>>
      %dma_start3A = arith.constant 0 : i32
      %dma_start3A_27 = tpu.memref_slice %arg9[%add3A_12, %dma_start3A] : memref<10240x128xf32, #tpu.memory_space<vmem_shared>> -> memref<128x128xf32, #tpu.memory_space<vmem_shared>>
      %dma_start3A_28 = arith.constant 0 : i32
      %dma_start3A_29 = tpu.memref_slice %arg9[%add3A_12, %dma_start3A_28] : memref<10240x128xf32, #tpu.memory_space<vmem_shared>> -> memref<128x128xf32, #tpu.memory_space<vmem_shared>>
      tpu.enqueue_dma source(%arg8 : memref<128x128xf32, #tpu.memory_space<vmem>>) target(%dma_start3A_29 : memref<128x128xf32, #tpu.memory_space<vmem_shared>>) target_semaphore(%run_scoped3A : memref<!tpu.dma_semaphore, #tpu.memory_space<semaphore_mem>>)
      %dma_wait3A = arith.constant 0 : i32
      %dma_wait3A_30 = tpu.memref_slice %arg9[%add3A_12, %dma_wait3A] : memref<10240x128xf32, #tpu.memory_space<vmem_shared>> -> memref<128x128xf32, #tpu.memory_space<vmem_shared>>
      %dma_wait3A_31 = arith.constant 0 : i32
      %dma_wait3A_32 = tpu.memref_slice %arg9[%add3A_12, %dma_wait3A_31] : memref<10240x128xf32, #tpu.memory_space<vmem_shared>> -> memref<128x128xf32, #tpu.memory_space<vmem_shared>>
      tpu.wait_dma2 semaphore(%run_scoped3A : memref<!tpu.dma_semaphore, #tpu.memory_space<semaphore_mem>>) src(%arg8 : memref<128x128xf32, #tpu.memory_space<vmem>>) dst(%dma_wait3A_32 : memref<128x128xf32, #tpu.memory_space<vmem_shared>>)
      tpu.yield
    }) : () -> ()
    %add3A_13 = arith.constant 256 : i32
    %add3A_14 = arith.addi %mul3A_8, %add3A_13 : i32
    "tpu.region"() ({
      %run_scoped3A = tpu.sem_alloc : memref<!tpu.dma_semaphore, #tpu.memory_space<semaphore_mem>>
      %dma_start3A = arith.constant 0 : i32
      %dma_start3A_27 = tpu.memref_slice %arg9[%add3A_14, %dma_start3A] : memref<10240x128xf32, #tpu.memory_space<vmem_shared>> -> memref<128x128xf32, #tpu.memory_space<vmem_shared>>
      %dma_start3A_28 = arith.constant 0 : i32
      %dma_start3A_29 = tpu.memref_slice %arg9[%add3A_14, %dma_start3A_28] : memref<10240x128xf32, #tpu.memory_space<vmem_shared>> -> memref<128x128xf32, #tpu.memory_space<vmem_shared>>
      tpu.enqueue_dma source(%arg8 : memref<128x128xf32, #tpu.memory_space<vmem>>) target(%dma_start3A_29 : memref<128x128xf32, #tpu.memory_space<vmem_shared>>) target_semaphore(%run_scoped3A : memref<!tpu.dma_semaphore, #tpu.memory_space<semaphore_mem>>)
      %dma_wait3A = arith.constant 0 : i32
      %dma_wait3A_30 = tpu.memref_slice %arg9[%add3A_14, %dma_wait3A] : memref<10240x128xf32, #tpu.memory_space<vmem_shared>> -> memref<128x128xf32, #tpu.memory_space<vmem_shared>>
      %dma_wait3A_31 = arith.constant 0 : i32
      %dma_wait3A_32 = tpu.memref_slice %arg9[%add3A_14, %dma_wait3A_31] : memref<10240x128xf32, #tpu.memory_space<vmem_shared>> -> memref<128x128xf32, #tpu.memory_space<vmem_shared>>
      tpu.wait_dma2 semaphore(%run_scoped3A : memref<!tpu.dma_semaphore, #tpu.memory_space<semaphore_mem>>) src(%arg8 : memref<128x128xf32, #tpu.memory_space<vmem>>) dst(%dma_wait3A_32 : memref<128x128xf32, #tpu.memory_space<vmem_shared>>)
      tpu.yield
    }) : () -> ()
    %add3A_15 = arith.constant 384 : i32
    %add3A_16 = arith.addi %mul3A_8, %add3A_15 : i32
    "tpu.region"() ({
      %run_scoped3A = tpu.sem_alloc : memref<!tpu.dma_semaphore, #tpu.memory_space<semaphore_mem>>
      %dma_start3A = arith.constant 0 : i32
      %dma_start3A_27 = tpu.memref_slice %arg9[%add3A_16, %dma_start3A] : memref<10240x128xf32, #tpu.memory_space<vmem_shared>> -> memref<128x128xf32, #tpu.memory_space<vmem_shared>>
      %dma_start3A_28 = arith.constant 0 : i32
      %dma_start3A_29 = tpu.memref_slice %arg9[%add3A_16, %dma_start3A_28] : memref<10240x128xf32, #tpu.memory_space<vmem_shared>> -> memref<128x128xf32, #tpu.memory_space<vmem_shared>>
      tpu.enqueue_dma source(%arg8 : memref<128x128xf32, #tpu.memory_space<vmem>>) target(%dma_start3A_29 : memref<128x128xf32, #tpu.memory_space<vmem_shared>>) target_semaphore(%run_scoped3A : memref<!tpu.dma_semaphore, #tpu.memory_space<semaphore_mem>>)
      %dma_wait3A = arith.constant 0 : i32
      %dma_wait3A_30 = tpu.memref_slice %arg9[%add3A_16, %dma_wait3A] : memref<10240x128xf32, #tpu.memory_space<vmem_shared>> -> memref<128x128xf32, #tpu.memory_space<vmem_shared>>
      %dma_wait3A_31 = arith.constant 0 : i32
      %dma_wait3A_32 = tpu.memref_slice %arg9[%add3A_16, %dma_wait3A_31] : memref<10240x128xf32, #tpu.memory_space<vmem_shared>> -> memref<128x128xf32, #tpu.memory_space<vmem_shared>>
      tpu.wait_dma2 semaphore(%run_scoped3A : memref<!tpu.dma_semaphore, #tpu.memory_space<semaphore_mem>>) src(%arg8 : memref<128x128xf32, #tpu.memory_space<vmem>>) dst(%dma_wait3A_32 : memref<128x128xf32, #tpu.memory_space<vmem_shared>>)
      tpu.yield
    }) : () -> ()
    %add3A_17 = arith.constant 512 : i32
    %add3A_18 = arith.addi %mul3A_8, %add3A_17 : i32
    "tpu.region"() ({
      %run_scoped3A = tpu.sem_alloc : memref<!tpu.dma_semaphore, #tpu.memory_space<semaphore_mem>>
      %dma_start3A = arith.constant 0 : i32
      %dma_start3A_27 = tpu.memref_slice %arg9[%add3A_18, %dma_start3A] : memref<10240x128xf32, #tpu.memory_space<vmem_shared>> -> memref<128x128xf32, #tpu.memory_space<vmem_shared>>
      %dma_start3A_28 = arith.constant 0 : i32
      %dma_start3A_29 = tpu.memref_slice %arg9[%add3A_18, %dma_start3A_28] : memref<10240x128xf32, #tpu.memory_space<vmem_shared>> -> memref<128x128xf32, #tpu.memory_space<vmem_shared>>
      tpu.enqueue_dma source(%arg8 : memref<128x128xf32, #tpu.memory_space<vmem>>) target(%dma_start3A_29 : memref<128x128xf32, #tpu.memory_space<vmem_shared>>) target_semaphore(%run_scoped3A : memref<!tpu.dma_semaphore, #tpu.memory_space<semaphore_mem>>)
      %dma_wait3A = arith.constant 0 : i32
      %dma_wait3A_30 = tpu.memref_slice %arg9[%add3A_18, %dma_wait3A] : memref<10240x128xf32, #tpu.memory_space<vmem_shared>> -> memref<128x128xf32, #tpu.memory_space<vmem_shared>>
      %dma_wait3A_31 = arith.constant 0 : i32
      %dma_wait3A_32 = tpu.memref_slice %arg9[%add3A_18, %dma_wait3A_31] : memref<10240x128xf32, #tpu.memory_space<vmem_shared>> -> memref<128x128xf32, #tpu.memory_space<vmem_shared>>
      tpu.wait_dma2 semaphore(%run_scoped3A : memref<!tpu.dma_semaphore, #tpu.memory_space<semaphore_mem>>) src(%arg8 : memref<128x128xf32, #tpu.memory_space<vmem>>) dst(%dma_wait3A_32 : memref<128x128xf32, #tpu.memory_space<vmem_shared>>)
      tpu.yield
    }) : () -> ()
    %barrier3A = arith.constant 0 : index
    tpu.barrier barrier_id(%barrier3A)
    %scan3A_19 = arith.constant 0 : i32
    %scan3A_20 = arith.constant 0 : i32
    %scan3A_21 = arith.constant 79 : i32
    %scan3A_22 = arith.addi %scan3A_20, %scan3A_21 : i32
    %scan3A_23 = arith.constant 1 : i32
    %scan3A_24 = scf.for %scan3A_27 = %scan3A_20 to %scan3A_22 step %scan3A_23 iter_args(%scan3A_28 = %scan3A_19) -> (i32)  : i32 {
      %dma_start3A = arith.constant 0 : i32
      %dma_start3A_29 = tpu.memref_slice %arg6[%scan3A_27, %dma_start3A] : memref<79x128xi32, #tpu.memory_space<vmem>> -> memref<1x128xi32, #tpu.memory_space<vmem>>
      %dma_start3A_30 = tpu.memref_squeeze %dma_start3A_29 : memref<1x128xi32, #tpu.memory_space<vmem>> -> memref<128xi32, #tpu.memory_space<vmem>>
      %dma_start3A_31 = arith.constant 0 : i32
      %dma_start3A_32 = arith.constant 0 : i32
      %dma_start3A_33 = tpu.memref_slice %arg4[%dma_start3A_31, %dma_start3A_32] : memref<10240x128xf32, #tpu.memory_space<hbm>> -> memref<10240x128xf32, #tpu.memory_space<hbm>>
      tpu.enqueue_indirect_dma source(%dma_start3A_33 : memref<10240x128xf32, #tpu.memory_space<hbm>>) target(%arg8 : memref<128x128xf32, #tpu.memory_space<vmem>>) offsets(%dma_start3A_30 : memref<128xi32, #tpu.memory_space<vmem>>) semaphore(%arg10 : memref<!tpu.dma_semaphore, #tpu.memory_space<semaphore_mem>>)
      %dma_wait3A = arith.constant 0 : i32
      %dma_wait3A_34 = tpu.memref_slice %arg6[%scan3A_27, %dma_wait3A] : memref<79x128xi32, #tpu.memory_space<vmem>> -> memref<1x128xi32, #tpu.memory_space<vmem>>
      %dma_wait3A_35 = tpu.memref_squeeze %dma_wait3A_34 : memref<1x128xi32, #tpu.memory_space<vmem>> -> memref<128xi32, #tpu.memory_space<vmem>>
      %dma_wait3A_36 = arith.constant 0 : i32
      %dma_wait3A_37 = arith.constant 0 : i32
      %dma_wait3A_38 = tpu.memref_slice %arg4[%dma_wait3A_36, %dma_wait3A_37] : memref<10240x128xf32, #tpu.memory_space<hbm>> -> memref<10240x128xf32, #tpu.memory_space<hbm>>
      tpu.wait_indirect_dma semaphore(%arg10 : memref<!tpu.dma_semaphore, #tpu.memory_space<semaphore_mem>>) src(%dma_wait3A_38 : memref<10240x128xf32, #tpu.memory_space<hbm>>) dst(%arg8 : memref<128x128xf32, #tpu.memory_space<vmem>>)
      "tpu.region"() ({
        %run_scoped3A = tpu.sem_alloc : memref<!tpu.dma_semaphore, #tpu.memory_space<semaphore_mem>>
        %dma_start3A_40 = arith.constant 0 : i32
        %dma_start3A_41 = tpu.memref_slice %arg7[%scan3A_27, %dma_start3A_40] : memref<79x128xi32, #tpu.memory_space<vmem>> -> memref<1x128xi32, #tpu.memory_space<vmem>>
        %dma_start3A_42 = tpu.memref_squeeze %dma_start3A_41 : memref<1x128xi32, #tpu.memory_space<vmem>> -> memref<128xi32, #tpu.memory_space<vmem>>
        %dma_start3A_43 = arith.constant 0 : i32
        %dma_start3A_44 = arith.constant 0 : i32
        %dma_start3A_45 = tpu.memref_slice %arg9[%dma_start3A_43, %dma_start3A_44] : memref<10240x128xf32, #tpu.memory_space<vmem_shared>> -> memref<10240x128xf32, #tpu.memory_space<vmem_shared>>
        tpu.enqueue_indirect_dma source(%arg8 : memref<128x128xf32, #tpu.memory_space<vmem>>) target(%dma_start3A_45 : memref<10240x128xf32, #tpu.memory_space<vmem_shared>>) offsets(%dma_start3A_42 : memref<128xi32, #tpu.memory_space<vmem>>) semaphore(%run_scoped3A : memref<!tpu.dma_semaphore, #tpu.memory_space<semaphore_mem>>) {add = true}
        %dma_wait3A_46 = arith.constant 0 : i32
        %dma_wait3A_47 = tpu.memref_slice %arg7[%scan3A_27, %dma_wait3A_46] : memref<79x128xi32, #tpu.memory_space<vmem>> -> memref<1x128xi32, #tpu.memory_space<vmem>>
        %dma_wait3A_48 = tpu.memref_squeeze %dma_wait3A_47 : memref<1x128xi32, #tpu.memory_space<vmem>> -> memref<128xi32, #tpu.memory_space<vmem>>
        %dma_wait3A_49 = arith.constant 0 : i32
        %dma_wait3A_50 = arith.constant 0 : i32
        %dma_wait3A_51 = tpu.memref_slice %arg9[%dma_wait3A_49, %dma_wait3A_50] : memref<10240x128xf32, #tpu.memory_space<vmem_shared>> -> memref<10240x128xf32, #tpu.memory_space<vmem_shared>>
        tpu.wait_indirect_dma semaphore(%run_scoped3A : memref<!tpu.dma_semaphore, #tpu.memory_space<semaphore_mem>>) src(%arg8 : memref<128x128xf32, #tpu.memory_space<vmem>>) dst(%dma_wait3A_51 : memref<10240x128xf32, #tpu.memory_space<vmem_shared>>)
        tpu.yield
      }) : () -> ()
      %scan3A_39 = arith.constant 0 : i32
      scf.yield %scan3A_39 : i32
    }
    %scan3A_25 = arith.constant 79 : i32
    %barrier3A_26 = arith.constant 0 : index
    tpu.barrier barrier_id(%barrier3A_26)
    "tpu.region"() ({
      %run_scoped3A = tpu.sem_alloc : memref<!tpu.dma_semaphore, #tpu.memory_space<semaphore_mem>>
      %dma_start3A = arith.constant 0 : i32
      %dma_start3A_27 = arith.constant 0 : i32
      %dma_start3A_28 = tpu.memref_slice %arg5[%arg0, %dma_start3A, %dma_start3A_27] : memref<2x10240x128xf32, #tpu.memory_space<hbm>> -> memref<1x10240x128xf32, #tpu.memory_space<hbm>>
      %dma_start3A_29 = tpu.memref_squeeze %dma_start3A_28 : memref<1x10240x128xf32, #tpu.memory_space<hbm>> -> memref<10240x128xf32, #tpu.memory_space<hbm>>
      %dma_start3A_30 = arith.constant 0 : i32
      %dma_start3A_31 = tpu.memref_slice %dma_start3A_29[%mul3A_8, %dma_start3A_30] : memref<10240x128xf32, #tpu.memory_space<hbm>> -> memref<640x128xf32, #tpu.memory_space<hbm>>
      %dma_start3A_32 = arith.constant 0 : i32
      %dma_start3A_33 = tpu.memref_slice %arg9[%mul3A_8, %dma_start3A_32] : memref<10240x128xf32, #tpu.memory_space<vmem_shared>> -> memref<640x128xf32, #tpu.memory_space<vmem_shared>>
      tpu.enqueue_dma source(%dma_start3A_33 : memref<640x128xf32, #tpu.memory_space<vmem_shared>>) target(%dma_start3A_31 : memref<640x128xf32, #tpu.memory_space<hbm>>) target_semaphore(%run_scoped3A : memref<!tpu.dma_semaphore, #tpu.memory_space<semaphore_mem>>)
      %dma_wait3A = arith.constant 0 : i32
      %dma_wait3A_34 = arith.constant 0 : i32
      %dma_wait3A_35 = tpu.memref_slice %arg5[%arg0, %dma_wait3A, %dma_wait3A_34] : memref<2x10240x128xf32, #tpu.memory_space<hbm>> -> memref<1x10240x128xf32, #tpu.memory_space<hbm>>
      %dma_wait3A_36 = tpu.memref_squeeze %dma_wait3A_35 : memref<1x10240x128xf32, #tpu.memory_space<hbm>> -> memref<10240x128xf32, #tpu.memory_space<hbm>>
      %dma_wait3A_37 = arith.constant 0 : i32
      %dma_wait3A_38 = tpu.memref_slice %dma_wait3A_36[%mul3A_8, %dma_wait3A_37] : memref<10240x128xf32, #tpu.memory_space<hbm>> -> memref<640x128xf32, #tpu.memory_space<hbm>>
      %dma_wait3A_39 = arith.constant 0 : i32
      %dma_wait3A_40 = tpu.memref_slice %arg9[%mul3A_8, %dma_wait3A_39] : memref<10240x128xf32, #tpu.memory_space<vmem_shared>> -> memref<640x128xf32, #tpu.memory_space<vmem_shared>>
      tpu.wait_dma2 semaphore(%run_scoped3A : memref<!tpu.dma_semaphore, #tpu.memory_space<semaphore_mem>>) src(%dma_wait3A_40 : memref<640x128xf32, #tpu.memory_space<vmem_shared>>) dst(%dma_wait3A_38 : memref<640x128xf32, #tpu.memory_space<hbm>>)
      tpu.yield
    }) : () -> ()
    return
  }
}

#map = affine_map<(d0, d1) -> (0, 0, 0)>
#map1 = affine_map<(d0, d1) -> (0, 0)>
module attributes {stable_mosaic.version = 14 : i64} {
  func.func @_mp_body(%arg0: i32, %arg1: i32, %arg2: memref<32x79x128xi32, #tpu.memory_space<hbm>>, %arg3: memref<32x79x128xi32, #tpu.memory_space<hbm>>, %arg4: memref<10240x128xf32, #tpu.memory_space<hbm>>, %arg5: memref<2x10240x128xf32, #tpu.memory_space<hbm>>, %arg6: memref<79x128xi32, #tpu.memory_space<vmem>>, %arg7: memref<79x128xi32, #tpu.memory_space<vmem>>, %arg8: memref<128x128xf32, #tpu.memory_space<vmem>>, %arg9: memref<10240x128xf32, #tpu.memory_space<vmem_shared>>, %arg10: memref<!tpu.dma_semaphore, #tpu.memory_space<semaphore_mem>>) attributes {dimension_semantics = [#tpu.dimension_semantics<core_parallel>, #tpu.dimension_semantics<subcore_parallel>], iteration_bounds = array<i64: 2, 16>, scalar_prefetch = 0 : i64, scratch_operands = 5 : i64, tpu.core_type = #tpu.core_type<sc_vector_subcore>, window_params = [{transform_indices = #map}, {transform_indices = #map}, {transform_indices = #map1}, {transform_indices = #map}]} {
    %mul3A = arith.constant 2 : i32
    %mul3A_0 = arith.muli %arg1, %mul3A : i32
    %add3A = arith.addi %mul3A_0, %arg0 : i32
    "tpu.region"() ({
      %run_scoped3A = tpu.sem_alloc : memref<!tpu.dma_semaphore, #tpu.memory_space<semaphore_mem>>
      %dma_start3A = arith.constant 0 : i32
      %dma_start3A_27 = arith.constant 0 : i32
      %dma_start3A_28 = tpu.memref_slice %arg2[%add3A, %dma_start3A, %dma_start3A_27] : memref<32x79x128xi32, #tpu.memory_space<hbm>> -> memref<1x79x128xi32, #tpu.memory_space<hbm>>
      %dma_start3A_29 = tpu.memref_squeeze %dma_start3A_28 : memref<1x79x128xi32, #tpu.memory_space<hbm>> -> memref<79x128xi32, #tpu.memory_space<hbm>>
      %dma_start3A_30 = arith.constant 0 : i32
      %dma_start3A_31 = arith.constant 0 : i32
      %dma_start3A_32 = tpu.memref_slice %arg2[%add3A, %dma_start3A_30, %dma_start3A_31] : memref<32x79x128xi32, #tpu.memory_space<hbm>> -> memref<1x79x128xi32, #tpu.memory_space<hbm>>
      %dma_start3A_33 = tpu.memref_squeeze %dma_start3A_32 : memref<1x79x128xi32, #tpu.memory_space<hbm>> -> memref<79x128xi32, #tpu.memory_space<hbm>>
      tpu.enqueue_dma source(%dma_start3A_33 : memref<79x128xi32, #tpu.memory_space<hbm>>) target(%arg6 : memref<79x128xi32, #tpu.memory_space<vmem>>) target_semaphore(%run_scoped3A : memref<!tpu.dma_semaphore, #tpu.memory_space<semaphore_mem>>)
      %dma_wait3A = arith.constant 0 : i32
      %dma_wait3A_34 = arith.constant 0 : i32
      %dma_wait3A_35 = tpu.memref_slice %arg2[%add3A, %dma_wait3A, %dma_wait3A_34] : memref<32x79x128xi32, #tpu.memory_space<hbm>> -> memref<1x79x128xi32, #tpu.memory_space<hbm>>
      %dma_wait3A_36 = tpu.memref_squeeze %dma_wait3A_35 : memref<1x79x128xi32, #tpu.memory_space<hbm>> -> memref<79x128xi32, #tpu.memory_space<hbm>>
      %dma_wait3A_37 = arith.constant 0 : i32
      %dma_wait3A_38 = arith.constant 0 : i32
      %dma_wait3A_39 = tpu.memref_slice %arg2[%add3A, %dma_wait3A_37, %dma_wait3A_38] : memref<32x79x128xi32, #tpu.memory_space<hbm>> -> memref<1x79x128xi32, #tpu.memory_space<hbm>>
      %dma_wait3A_40 = tpu.memref_squeeze %dma_wait3A_39 : memref<1x79x128xi32, #tpu.memory_space<hbm>> -> memref<79x128xi32, #tpu.memory_space<hbm>>
      tpu.wait_dma2 semaphore(%run_scoped3A : memref<!tpu.dma_semaphore, #tpu.memory_space<semaphore_mem>>) src(%dma_wait3A_40 : memref<79x128xi32, #tpu.memory_space<hbm>>) dst(%arg6 : memref<79x128xi32, #tpu.memory_space<vmem>>)
      tpu.yield
    }) : () -> ()
    "tpu.region"() ({
      %run_scoped3A = tpu.sem_alloc : memref<!tpu.dma_semaphore, #tpu.memory_space<semaphore_mem>>
      %dma_start3A = arith.constant 0 : i32
      %dma_start3A_27 = arith.constant 0 : i32
      %dma_start3A_28 = tpu.memref_slice %arg3[%add3A, %dma_start3A, %dma_start3A_27] : memref<32x79x128xi32, #tpu.memory_space<hbm>> -> memref<1x79x128xi32, #tpu.memory_space<hbm>>
      %dma_start3A_29 = tpu.memref_squeeze %dma_start3A_28 : memref<1x79x128xi32, #tpu.memory_space<hbm>> -> memref<79x128xi32, #tpu.memory_space<hbm>>
      %dma_start3A_30 = arith.constant 0 : i32
      %dma_start3A_31 = arith.constant 0 : i32
      %dma_start3A_32 = tpu.memref_slice %arg3[%add3A, %dma_start3A_30, %dma_start3A_31] : memref<32x79x128xi32, #tpu.memory_space<hbm>> -> memref<1x79x128xi32, #tpu.memory_space<hbm>>
      %dma_start3A_33 = tpu.memref_squeeze %dma_start3A_32 : memref<1x79x128xi32, #tpu.memory_space<hbm>> -> memref<79x128xi32, #tpu.memory_space<hbm>>
      tpu.enqueue_dma source(%dma_start3A_33 : memref<79x128xi32, #tpu.memory_space<hbm>>) target(%arg7 : memref<79x128xi32, #tpu.memory_space<vmem>>) target_semaphore(%run_scoped3A : memref<!tpu.dma_semaphore, #tpu.memory_space<semaphore_mem>>)
      %dma_wait3A = arith.constant 0 : i32
      %dma_wait3A_34 = arith.constant 0 : i32
      %dma_wait3A_35 = tpu.memref_slice %arg3[%add3A, %dma_wait3A, %dma_wait3A_34] : memref<32x79x128xi32, #tpu.memory_space<hbm>> -> memref<1x79x128xi32, #tpu.memory_space<hbm>>
      %dma_wait3A_36 = tpu.memref_squeeze %dma_wait3A_35 : memref<1x79x128xi32, #tpu.memory_space<hbm>> -> memref<79x128xi32, #tpu.memory_space<hbm>>
      %dma_wait3A_37 = arith.constant 0 : i32
      %dma_wait3A_38 = arith.constant 0 : i32
      %dma_wait3A_39 = tpu.memref_slice %arg3[%add3A, %dma_wait3A_37, %dma_wait3A_38] : memref<32x79x128xi32, #tpu.memory_space<hbm>> -> memref<1x79x128xi32, #tpu.memory_space<hbm>>
      %dma_wait3A_40 = tpu.memref_squeeze %dma_wait3A_39 : memref<1x79x128xi32, #tpu.memory_space<hbm>> -> memref<79x128xi32, #tpu.memory_space<hbm>>
      tpu.wait_dma2 semaphore(%run_scoped3A : memref<!tpu.dma_semaphore, #tpu.memory_space<semaphore_mem>>) src(%dma_wait3A_40 : memref<79x128xi32, #tpu.memory_space<hbm>>) dst(%arg7 : memref<79x128xi32, #tpu.memory_space<vmem>>)
      tpu.yield
    }) : () -> ()
    %scan3A = arith.constant 0 : i32
    %scan3A_1 = arith.constant 0 : i32
    %scan3A_2 = arith.constant 1024 : i32
    %scan3A_3 = arith.addi %scan3A_1, %scan3A_2 : i32
    %scan3A_4 = arith.constant 1 : i32
    %scan3A_5 = scf.for %scan3A_27 = %scan3A_1 to %scan3A_3 step %scan3A_4 iter_args(%scan3A_28 = %scan3A) -> (i32)  : i32 {
      %jit3A = arith.constant 8 : i32
      %div3A = arith.divsi %scan3A_27, %jit3A : i32
      %sign3A = arith.constant 0 : i32
      %sign3A_29 = arith.cmpi sgt, %scan3A_27, %sign3A : i32
      %sign3A_30 = arith.extui %sign3A_29 : i1 to i32
      %sign3A_31 = arith.constant 0 : i32
      %sign3A_32 = arith.cmpi slt, %scan3A_27, %sign3A_31 : i32
      %sign3A_33 = arith.extui %sign3A_32 : i1 to i32
      %sign3A_34 = arith.subi %sign3A_30, %sign3A_33 : i32
      %sign3A_35 = arith.constant 0 : i32
      %sign3A_36 = arith.cmpi sgt, %jit3A, %sign3A_35 : i32
      %sign3A_37 = arith.extui %sign3A_36 : i1 to i32
      %sign3A_38 = arith.constant 0 : i32
      %sign3A_39 = arith.cmpi slt, %jit3A, %sign3A_38 : i32
      %sign3A_40 = arith.extui %sign3A_39 : i1 to i32
      %sign3A_41 = arith.subi %sign3A_37, %sign3A_40 : i32
      %ne3A = arith.cmpi ne, %sign3A_34, %sign3A_41 : i32
      %rem3A = arith.remsi %scan3A_27, %jit3A : i32
      %ne3A_42 = arith.constant 0 : i32
      %ne3A_43 = arith.cmpi ne, %rem3A, %ne3A_42 : i32
      %and3A = arith.andi %ne3A, %ne3A_43 : i1
      %sub3A = arith.constant 1 : i32
      %sub3A_44 = arith.subi %div3A, %sub3A : i32
      %select_n3A = arith.select %and3A, %sub3A_44, %div3A : i32
      %jit3A_45 = arith.constant 8 : i32
      %eq3A = arith.constant 0 : i32
      %eq3A_46 = arith.cmpi eq, %jit3A_45, %eq3A : i32
      %jit3A_47 = arith.constant 1 : i32
      %select_n3A_48 = arith.select %eq3A_46, %jit3A_47, %jit3A_45 : i32
      %rem3A_49 = arith.remsi %scan3A_27, %select_n3A_48 : i32
      %ne3A_50 = arith.constant 0 : i32
      %ne3A_51 = arith.cmpi ne, %rem3A_49, %ne3A_50 : i32
      %lt3A = arith.constant 0 : i32
      %lt3A_52 = arith.cmpi slt, %rem3A_49, %lt3A : i32
      %lt3A_53 = arith.constant 0 : i32
      %lt3A_54 = arith.cmpi slt, %select_n3A_48, %lt3A_53 : i32
      %ne3A_55 = arith.xori %lt3A_52, %lt3A_54 : i1
      %and3A_56 = arith.andi %ne3A_55, %ne3A_51 : i1
      %add3A_57 = arith.addi %rem3A_49, %select_n3A_48 : i32
      %select_n3A_58 = arith.select %and3A_56, %add3A_57, %rem3A_49 : i32
      %mul3A_59 = arith.constant 16 : i32
      %mul3A_60 = arith.muli %select_n3A_58, %mul3A_59 : i32
      %broadcast_in_dim3A = arith.constant 0.000000e+00 : f32
      %broadcast_in_dim3A_61 = vector.broadcast %broadcast_in_dim3A : f32 to vector<16xf32>
      %swap3A = arith.index_cast %select_n3A : i32 to index
      %swap3A_62 = arith.index_cast %mul3A_60 : i32 to index
      %swap3A_63 = tpu.vector_load %arg8[%swap3A, %swap3A_62] {strides = array<i32>} : memref<128x128xf32, #tpu.memory_space<vmem>>, vector<1x16xf32>,
      %swap3A_64 = vector.shape_cast %swap3A_63 : vector<1x16xf32> to vector<16xf32>
      %swap3A_65 = vector.shape_cast %broadcast_in_dim3A_61 : vector<16xf32> to vector<1x16xf32>
      tpu.vector_store %arg8[%swap3A, %swap3A_62], %swap3A_65 {strides = array<i32>} : memref<128x128xf32, #tpu.memory_space<vmem>>, vector<1x16xf32>,
      %scan3A_66 = arith.constant 0 : i32
      scf.yield %scan3A_66 : i32
    }
    %scan3A_6 = arith.constant 1024 : i32
    %mul3A_7 = arith.constant 640 : i32
    %mul3A_8 = arith.muli %arg1, %mul3A_7 : i32
    %add3A_9 = arith.constant 0 : i32
    %add3A_10 = arith.addi %mul3A_8, %add3A_9 : i32
    "tpu.region"() ({
      %run_scoped3A = tpu.sem_alloc : memref<!tpu.dma_semaphore, #tpu.memory_space<semaphore_mem>>
      %dma_start3A = arith.constant 0 : i32
      %dma_start3A_27 = tpu.memref_slice %arg9[%add3A_10, %dma_start3A] : memref<10240x128xf32, #tpu.memory_space<vmem_shared>> -> memref<128x128xf32, #tpu.memory_space<vmem_shared>>
      %dma_start3A_28 = arith.constant 0 : i32
      %dma_start3A_29 = tpu.memref_slice %arg9[%add3A_10, %dma_start3A_28] : memref<10240x128xf32, #tpu.memory_space<vmem_shared>> -> memref<128x128xf32, #tpu.memory_space<vmem_shared>>
      tpu.enqueue_dma source(%arg8 : memref<128x128xf32, #tpu.memory_space<vmem>>) target(%dma_start3A_29 : memref<128x128xf32, #tpu.memory_space<vmem_shared>>) target_semaphore(%run_scoped3A : memref<!tpu.dma_semaphore, #tpu.memory_space<semaphore_mem>>)
      %dma_wait3A = arith.constant 0 : i32
      %dma_wait3A_30 = tpu.memref_slice %arg9[%add3A_10, %dma_wait3A] : memref<10240x128xf32, #tpu.memory_space<vmem_shared>> -> memref<128x128xf32, #tpu.memory_space<vmem_shared>>
      %dma_wait3A_31 = arith.constant 0 : i32
      %dma_wait3A_32 = tpu.memref_slice %arg9[%add3A_10, %dma_wait3A_31] : memref<10240x128xf32, #tpu.memory_space<vmem_shared>> -> memref<128x128xf32, #tpu.memory_space<vmem_shared>>
      tpu.wait_dma2 semaphore(%run_scoped3A : memref<!tpu.dma_semaphore, #tpu.memory_space<semaphore_mem>>) src(%arg8 : memref<128x128xf32, #tpu.memory_space<vmem>>) dst(%dma_wait3A_32 : memref<128x128xf32, #tpu.memory_space<vmem_shared>>)
      tpu.yield
    }) : () -> ()
    %add3A_11 = arith.constant 128 : i32
    %add3A_12 = arith.addi %mul3A_8, %add3A_11 : i32
    "tpu.region"() ({
      %run_scoped3A = tpu.sem_alloc : memref<!tpu.dma_semaphore, #tpu.memory_space<semaphore_mem>>
      %dma_start3A = arith.constant 0 : i32
      %dma_start3A_27 = tpu.memref_slice %arg9[%add3A_12, %dma_start3A] : memref<10240x128xf32, #tpu.memory_space<vmem_shared>> -> memref<128x128xf32, #tpu.memory_space<vmem_shared>>
      %dma_start3A_28 = arith.constant 0 : i32
      %dma_start3A_29 = tpu.memref_slice %arg9[%add3A_12, %dma_start3A_28] : memref<10240x128xf32, #tpu.memory_space<vmem_shared>> -> memref<128x128xf32, #tpu.memory_space<vmem_shared>>
      tpu.enqueue_dma source(%arg8 : memref<128x128xf32, #tpu.memory_space<vmem>>) target(%dma_start3A_29 : memref<128x128xf32, #tpu.memory_space<vmem_shared>>) target_semaphore(%run_scoped3A : memref<!tpu.dma_semaphore, #tpu.memory_space<semaphore_mem>>)
      %dma_wait3A = arith.constant 0 : i32
      %dma_wait3A_30 = tpu.memref_slice %arg9[%add3A_12, %dma_wait3A] : memref<10240x128xf32, #tpu.memory_space<vmem_shared>> -> memref<128x128xf32, #tpu.memory_space<vmem_shared>>
      %dma_wait3A_31 = arith.constant 0 : i32
      %dma_wait3A_32 = tpu.memref_slice %arg9[%add3A_12, %dma_wait3A_31] : memref<10240x128xf32, #tpu.memory_space<vmem_shared>> -> memref<128x128xf32, #tpu.memory_space<vmem_shared>>
      tpu.wait_dma2 semaphore(%run_scoped3A : memref<!tpu.dma_semaphore, #tpu.memory_space<semaphore_mem>>) src(%arg8 : memref<128x128xf32, #tpu.memory_space<vmem>>) dst(%dma_wait3A_32 : memref<128x128xf32, #tpu.memory_space<vmem_shared>>)
      tpu.yield
    }) : () -> ()
    %add3A_13 = arith.constant 256 : i32
    %add3A_14 = arith.addi %mul3A_8, %add3A_13 : i32
    "tpu.region"() ({
      %run_scoped3A = tpu.sem_alloc : memref<!tpu.dma_semaphore, #tpu.memory_space<semaphore_mem>>
      %dma_start3A = arith.constant 0 : i32
      %dma_start3A_27 = tpu.memref_slice %arg9[%add3A_14, %dma_start3A] : memref<10240x128xf32, #tpu.memory_space<vmem_shared>> -> memref<128x128xf32, #tpu.memory_space<vmem_shared>>
      %dma_start3A_28 = arith.constant 0 : i32
      %dma_start3A_29 = tpu.memref_slice %arg9[%add3A_14, %dma_start3A_28] : memref<10240x128xf32, #tpu.memory_space<vmem_shared>> -> memref<128x128xf32, #tpu.memory_space<vmem_shared>>
      tpu.enqueue_dma source(%arg8 : memref<128x128xf32, #tpu.memory_space<vmem>>) target(%dma_start3A_29 : memref<128x128xf32, #tpu.memory_space<vmem_shared>>) target_semaphore(%run_scoped3A : memref<!tpu.dma_semaphore, #tpu.memory_space<semaphore_mem>>)
      %dma_wait3A = arith.constant 0 : i32
      %dma_wait3A_30 = tpu.memref_slice %arg9[%add3A_14, %dma_wait3A] : memref<10240x128xf32, #tpu.memory_space<vmem_shared>> -> memref<128x128xf32, #tpu.memory_space<vmem_shared>>
      %dma_wait3A_31 = arith.constant 0 : i32
      %dma_wait3A_32 = tpu.memref_slice %arg9[%add3A_14, %dma_wait3A_31] : memref<10240x128xf32, #tpu.memory_space<vmem_shared>> -> memref<128x128xf32, #tpu.memory_space<vmem_shared>>
      tpu.wait_dma2 semaphore(%run_scoped3A : memref<!tpu.dma_semaphore, #tpu.memory_space<semaphore_mem>>) src(%arg8 : memref<128x128xf32, #tpu.memory_space<vmem>>) dst(%dma_wait3A_32 : memref<128x128xf32, #tpu.memory_space<vmem_shared>>)
      tpu.yield
    }) : () -> ()
    %add3A_15 = arith.constant 384 : i32
    %add3A_16 = arith.addi %mul3A_8, %add3A_15 : i32
    "tpu.region"() ({
      %run_scoped3A = tpu.sem_alloc : memref<!tpu.dma_semaphore, #tpu.memory_space<semaphore_mem>>
      %dma_start3A = arith.constant 0 : i32
      %dma_start3A_27 = tpu.memref_slice %arg9[%add3A_16, %dma_start3A] : memref<10240x128xf32, #tpu.memory_space<vmem_shared>> -> memref<128x128xf32, #tpu.memory_space<vmem_shared>>
      %dma_start3A_28 = arith.constant 0 : i32
      %dma_start3A_29 = tpu.memref_slice %arg9[%add3A_16, %dma_start3A_28] : memref<10240x128xf32, #tpu.memory_space<vmem_shared>> -> memref<128x128xf32, #tpu.memory_space<vmem_shared>>
      tpu.enqueue_dma source(%arg8 : memref<128x128xf32, #tpu.memory_space<vmem>>) target(%dma_start3A_29 : memref<128x128xf32, #tpu.memory_space<vmem_shared>>) target_semaphore(%run_scoped3A : memref<!tpu.dma_semaphore, #tpu.memory_space<semaphore_mem>>)
      %dma_wait3A = arith.constant 0 : i32
      %dma_wait3A_30 = tpu.memref_slice %arg9[%add3A_16, %dma_wait3A] : memref<10240x128xf32, #tpu.memory_space<vmem_shared>> -> memref<128x128xf32, #tpu.memory_space<vmem_shared>>
      %dma_wait3A_31 = arith.constant 0 : i32
      %dma_wait3A_32 = tpu.memref_slice %arg9[%add3A_16, %dma_wait3A_31] : memref<10240x128xf32, #tpu.memory_space<vmem_shared>> -> memref<128x128xf32, #tpu.memory_space<vmem_shared>>
      tpu.wait_dma2 semaphore(%run_scoped3A : memref<!tpu.dma_semaphore, #tpu.memory_space<semaphore_mem>>) src(%arg8 : memref<128x128xf32, #tpu.memory_space<vmem>>) dst(%dma_wait3A_32 : memref<128x128xf32, #tpu.memory_space<vmem_shared>>)
      tpu.yield
    }) : () -> ()
    %add3A_17 = arith.constant 512 : i32
    %add3A_18 = arith.addi %mul3A_8, %add3A_17 : i32
    "tpu.region"() ({
      %run_scoped3A = tpu.sem_alloc : memref<!tpu.dma_semaphore, #tpu.memory_space<semaphore_mem>>
      %dma_start3A = arith.constant 0 : i32
      %dma_start3A_27 = tpu.memref_slice %arg9[%add3A_18, %dma_start3A] : memref<10240x128xf32, #tpu.memory_space<vmem_shared>> -> memref<128x128xf32, #tpu.memory_space<vmem_shared>>
      %dma_start3A_28 = arith.constant 0 : i32
      %dma_start3A_29 = tpu.memref_slice %arg9[%add3A_18, %dma_start3A_28] : memref<10240x128xf32, #tpu.memory_space<vmem_shared>> -> memref<128x128xf32, #tpu.memory_space<vmem_shared>>
      tpu.enqueue_dma source(%arg8 : memref<128x128xf32, #tpu.memory_space<vmem>>) target(%dma_start3A_29 : memref<128x128xf32, #tpu.memory_space<vmem_shared>>) target_semaphore(%run_scoped3A : memref<!tpu.dma_semaphore, #tpu.memory_space<semaphore_mem>>)
      %dma_wait3A = arith.constant 0 : i32
      %dma_wait3A_30 = tpu.memref_slice %arg9[%add3A_18, %dma_wait3A] : memref<10240x128xf32, #tpu.memory_space<vmem_shared>> -> memref<128x128xf32, #tpu.memory_space<vmem_shared>>
      %dma_wait3A_31 = arith.constant 0 : i32
      %dma_wait3A_32 = tpu.memref_slice %arg9[%add3A_18, %dma_wait3A_31] : memref<10240x128xf32, #tpu.memory_space<vmem_shared>> -> memref<128x128xf32, #tpu.memory_space<vmem_shared>>
      tpu.wait_dma2 semaphore(%run_scoped3A : memref<!tpu.dma_semaphore, #tpu.memory_space<semaphore_mem>>) src(%arg8 : memref<128x128xf32, #tpu.memory_space<vmem>>) dst(%dma_wait3A_32 : memref<128x128xf32, #tpu.memory_space<vmem_shared>>)
      tpu.yield
    }) : () -> ()
    %barrier3A = arith.constant 0 : index
    tpu.barrier barrier_id(%barrier3A)
    %scan3A_19 = arith.constant 0 : i32
    %scan3A_20 = arith.constant 0 : i32
    %scan3A_21 = arith.constant 79 : i32
    %scan3A_22 = arith.addi %scan3A_20, %scan3A_21 : i32
    %scan3A_23 = arith.constant 1 : i32
    %scan3A_24 = scf.for %scan3A_27 = %scan3A_20 to %scan3A_22 step %scan3A_23 iter_args(%scan3A_28 = %scan3A_19) -> (i32)  : i32 {
      %dma_start3A = arith.constant 0 : i32
      %dma_start3A_29 = tpu.memref_slice %arg6[%scan3A_27, %dma_start3A] : memref<79x128xi32, #tpu.memory_space<vmem>> -> memref<1x128xi32, #tpu.memory_space<vmem>>
      %dma_start3A_30 = tpu.memref_squeeze %dma_start3A_29 : memref<1x128xi32, #tpu.memory_space<vmem>> -> memref<128xi32, #tpu.memory_space<vmem>>
      %dma_start3A_31 = arith.constant 0 : i32
      %dma_start3A_32 = arith.constant 0 : i32
      %dma_start3A_33 = tpu.memref_slice %arg4[%dma_start3A_31, %dma_start3A_32] : memref<10240x128xf32, #tpu.memory_space<hbm>> -> memref<10240x128xf32, #tpu.memory_space<hbm>>
      tpu.enqueue_indirect_dma source(%dma_start3A_33 : memref<10240x128xf32, #tpu.memory_space<hbm>>) target(%arg8 : memref<128x128xf32, #tpu.memory_space<vmem>>) offsets(%dma_start3A_30 : memref<128xi32, #tpu.memory_space<vmem>>) semaphore(%arg10 : memref<!tpu.dma_semaphore, #tpu.memory_space<semaphore_mem>>)
      %dma_wait3A = arith.constant 0 : i32
      %dma_wait3A_34 = tpu.memref_slice %arg6[%scan3A_27, %dma_wait3A] : memref<79x128xi32, #tpu.memory_space<vmem>> -> memref<1x128xi32, #tpu.memory_space<vmem>>
      %dma_wait3A_35 = tpu.memref_squeeze %dma_wait3A_34 : memref<1x128xi32, #tpu.memory_space<vmem>> -> memref<128xi32, #tpu.memory_space<vmem>>
      %dma_wait3A_36 = arith.constant 0 : i32
      %dma_wait3A_37 = arith.constant 0 : i32
      %dma_wait3A_38 = tpu.memref_slice %arg4[%dma_wait3A_36, %dma_wait3A_37] : memref<10240x128xf32, #tpu.memory_space<hbm>> -> memref<10240x128xf32, #tpu.memory_space<hbm>>
      tpu.wait_indirect_dma semaphore(%arg10 : memref<!tpu.dma_semaphore, #tpu.memory_space<semaphore_mem>>) src(%dma_wait3A_38 : memref<10240x128xf32, #tpu.memory_space<hbm>>) dst(%arg8 : memref<128x128xf32, #tpu.memory_space<vmem>>)
      "tpu.region"() ({
        %run_scoped3A = tpu.sem_alloc : memref<!tpu.dma_semaphore, #tpu.memory_space<semaphore_mem>>
        %dma_start3A_40 = arith.constant 0 : i32
        %dma_start3A_41 = tpu.memref_slice %arg7[%scan3A_27, %dma_start3A_40] : memref<79x128xi32, #tpu.memory_space<vmem>> -> memref<1x128xi32, #tpu.memory_space<vmem>>
        %dma_start3A_42 = tpu.memref_squeeze %dma_start3A_41 : memref<1x128xi32, #tpu.memory_space<vmem>> -> memref<128xi32, #tpu.memory_space<vmem>>
        %dma_start3A_43 = arith.constant 0 : i32
        %dma_start3A_44 = arith.constant 0 : i32
        %dma_start3A_45 = tpu.memref_slice %arg9[%dma_start3A_43, %dma_start3A_44] : memref<10240x128xf32, #tpu.memory_space<vmem_shared>> -> memref<10240x128xf32, #tpu.memory_space<vmem_shared>>
        tpu.enqueue_indirect_dma source(%arg8 : memref<128x128xf32, #tpu.memory_space<vmem>>) target(%dma_start3A_45 : memref<10240x128xf32, #tpu.memory_space<vmem_shared>>) offsets(%dma_start3A_42 : memref<128xi32, #tpu.memory_space<vmem>>) semaphore(%run_scoped3A : memref<!tpu.dma_semaphore, #tpu.memory_space<semaphore_mem>>) {add = true}
        %dma_wait3A_46 = arith.constant 0 : i32
        %dma_wait3A_47 = tpu.memref_slice %arg7[%scan3A_27, %dma_wait3A_46] : memref<79x128xi32, #tpu.memory_space<vmem>> -> memref<1x128xi32, #tpu.memory_space<vmem>>
        %dma_wait3A_48 = tpu.memref_squeeze %dma_wait3A_47 : memref<1x128xi32, #tpu.memory_space<vmem>> -> memref<128xi32, #tpu.memory_space<vmem>>
        %dma_wait3A_49 = arith.constant 0 : i32
        %dma_wait3A_50 = arith.constant 0 : i32
        %dma_wait3A_51 = tpu.memref_slice %arg9[%dma_wait3A_49, %dma_wait3A_50] : memref<10240x128xf32, #tpu.memory_space<vmem_shared>> -> memref<10240x128xf32, #tpu.memory_space<vmem_shared>>
        tpu.wait_indirect_dma semaphore(%run_scoped3A : memref<!tpu.dma_semaphore, #tpu.memory_space<semaphore_mem>>) src(%arg8 : memref<128x128xf32, #tpu.memory_space<vmem>>) dst(%dma_wait3A_51 : memref<10240x128xf32, #tpu.memory_space<vmem_shared>>)
        tpu.yield
      }) : () -> ()
      %scan3A_39 = arith.constant 0 : i32
      scf.yield %scan3A_39 : i32
    }
    %scan3A_25 = arith.constant 79 : i32
    %barrier3A_26 = arith.constant 0 : index
    tpu.barrier barrier_id(%barrier3A_26)
    "tpu.region"() ({
      %run_scoped3A = tpu.sem_alloc : memref<!tpu.dma_semaphore, #tpu.memory_space<semaphore_mem>>
      %dma_start3A = arith.constant 0 : i32
      %dma_start3A_27 = arith.constant 0 : i32
      %dma_start3A_28 = tpu.memref_slice %arg5[%arg0, %dma_start3A, %dma_start3A_27] : memref<2x10240x128xf32, #tpu.memory_space<hbm>> -> memref<1x10240x128xf32, #tpu.memory_space<hbm>>
      %dma_start3A_29 = tpu.memref_squeeze %dma_start3A_28 : memref<1x10240x128xf32, #tpu.memory_space<hbm>> -> memref<10240x128xf32, #tpu.memory_space<hbm>>
      %dma_start3A_30 = arith.constant 0 : i32
      %dma_start3A_31 = tpu.memref_slice %dma_start3A_29[%mul3A_8, %dma_start3A_30] : memref<10240x128xf32, #tpu.memory_space<hbm>> -> memref<640x128xf32, #tpu.memory_space<hbm>>
      %dma_start3A_32 = arith.constant 0 : i32
      %dma_start3A_33 = tpu.memref_slice %arg9[%mul3A_8, %dma_start3A_32] : memref<10240x128xf32, #tpu.memory_space<vmem_shared>> -> memref<640x128xf32, #tpu.memory_space<vmem_shared>>
      tpu.enqueue_dma source(%dma_start3A_33 : memref<640x128xf32, #tpu.memory_space<vmem_shared>>) target(%dma_start3A_31 : memref<640x128xf32, #tpu.memory_space<hbm>>) target_semaphore(%run_scoped3A : memref<!tpu.dma_semaphore, #tpu.memory_space<semaphore_mem>>)
      %dma_wait3A = arith.constant 0 : i32
      %dma_wait3A_34 = arith.constant 0 : i32
      %dma_wait3A_35 = tpu.memref_slice %arg5[%arg0, %dma_wait3A, %dma_wait3A_34] : memref<2x10240x128xf32, #tpu.memory_space<hbm>> -> memref<1x10240x128xf32, #tpu.memory_space<hbm>>
      %dma_wait3A_36 = tpu.memref_squeeze %dma_wait3A_35 : memref<1x10240x128xf32, #tpu.memory_space<hbm>> -> memref<10240x128xf32, #tpu.memory_space<hbm>>
      %dma_wait3A_37 = arith.constant 0 : i32
      %dma_wait3A_38 = tpu.memref_slice %dma_wait3A_36[%mul3A_8, %dma_wait3A_37] : memref<10240x128xf32, #tpu.memory_space<hbm>> -> memref<640x128xf32, #tpu.memory_space<hbm>>
      %dma_wait3A_39 = arith.constant 0 : i32
      %dma_wait3A_40 = tpu.memref_slice %arg9[%mul3A_8, %dma_wait3A_39] : memref<10240x128xf32, #tpu.memory_space<vmem_shared>> -> memref<640x128xf32, #tpu.memory_space<vmem_shared>>
      tpu.wait_dma2 semaphore(%run_scoped3A : memref<!tpu.dma_semaphore, #tpu.memory_space<semaphore_mem>>) src(%dma_wait3A_40 : memref<640x128xf32, #tpu.memory_space<vmem_shared>>) dst(%dma_wait3A_38 : memref<640x128xf32, #tpu.memory_space<hbm>>)
      tpu.yield
    }) : () -> ()
    return
  }
}

#map = affine_map<(d0, d1) -> (0, 0, 0)>
#map1 = affine_map<(d0, d1) -> (0, 0)>
module attributes {stable_mosaic.version = 14 : i64} {
  func.func @_mp_body(%arg0: i32, %arg1: i32, %arg2: memref<32x79x128xi32, #tpu.memory_space<hbm>>, %arg3: memref<32x79x128xi32, #tpu.memory_space<hbm>>, %arg4: memref<10240x128xf32, #tpu.memory_space<hbm>>, %arg5: memref<2x10240x128xf32, #tpu.memory_space<hbm>>, %arg6: memref<79x128xi32, #tpu.memory_space<vmem>>, %arg7: memref<79x128xi32, #tpu.memory_space<vmem>>, %arg8: memref<128x128xf32, #tpu.memory_space<vmem>>, %arg9: memref<10240x128xf32, #tpu.memory_space<vmem_shared>>, %arg10: memref<!tpu.dma_semaphore, #tpu.memory_space<semaphore_mem>>) attributes {dimension_semantics = [#tpu.dimension_semantics<core_parallel>, #tpu.dimension_semantics<subcore_parallel>], iteration_bounds = array<i64: 2, 16>, scalar_prefetch = 0 : i64, scratch_operands = 5 : i64, tpu.core_type = #tpu.core_type<sc_vector_subcore>, window_params = [{transform_indices = #map}, {transform_indices = #map}, {transform_indices = #map1}, {transform_indices = #map}]} {
    %mul3A = arith.constant 2 : i32
    %mul3A_0 = arith.muli %arg1, %mul3A : i32
    %add3A = arith.addi %mul3A_0, %arg0 : i32
    "tpu.region"() ({
      %run_scoped3A = tpu.sem_alloc : memref<!tpu.dma_semaphore, #tpu.memory_space<semaphore_mem>>
      %dma_start3A = arith.constant 0 : i32
      %dma_start3A_27 = arith.constant 0 : i32
      %dma_start3A_28 = tpu.memref_slice %arg2[%add3A, %dma_start3A, %dma_start3A_27] : memref<32x79x128xi32, #tpu.memory_space<hbm>> -> memref<1x79x128xi32, #tpu.memory_space<hbm>>
      %dma_start3A_29 = tpu.memref_squeeze %dma_start3A_28 : memref<1x79x128xi32, #tpu.memory_space<hbm>> -> memref<79x128xi32, #tpu.memory_space<hbm>>
      %dma_start3A_30 = arith.constant 0 : i32
      %dma_start3A_31 = arith.constant 0 : i32
      %dma_start3A_32 = tpu.memref_slice %arg2[%add3A, %dma_start3A_30, %dma_start3A_31] : memref<32x79x128xi32, #tpu.memory_space<hbm>> -> memref<1x79x128xi32, #tpu.memory_space<hbm>>
      %dma_start3A_33 = tpu.memref_squeeze %dma_start3A_32 : memref<1x79x128xi32, #tpu.memory_space<hbm>> -> memref<79x128xi32, #tpu.memory_space<hbm>>
      tpu.enqueue_dma source(%dma_start3A_33 : memref<79x128xi32, #tpu.memory_space<hbm>>) target(%arg6 : memref<79x128xi32, #tpu.memory_space<vmem>>) target_semaphore(%run_scoped3A : memref<!tpu.dma_semaphore, #tpu.memory_space<semaphore_mem>>)
      %dma_wait3A = arith.constant 0 : i32
      %dma_wait3A_34 = arith.constant 0 : i32
      %dma_wait3A_35 = tpu.memref_slice %arg2[%add3A, %dma_wait3A, %dma_wait3A_34] : memref<32x79x128xi32, #tpu.memory_space<hbm>> -> memref<1x79x128xi32, #tpu.memory_space<hbm>>
      %dma_wait3A_36 = tpu.memref_squeeze %dma_wait3A_35 : memref<1x79x128xi32, #tpu.memory_space<hbm>> -> memref<79x128xi32, #tpu.memory_space<hbm>>
      %dma_wait3A_37 = arith.constant 0 : i32
      %dma_wait3A_38 = arith.constant 0 : i32
      %dma_wait3A_39 = tpu.memref_slice %arg2[%add3A, %dma_wait3A_37, %dma_wait3A_38] : memref<32x79x128xi32, #tpu.memory_space<hbm>> -> memref<1x79x128xi32, #tpu.memory_space<hbm>>
      %dma_wait3A_40 = tpu.memref_squeeze %dma_wait3A_39 : memref<1x79x128xi32, #tpu.memory_space<hbm>> -> memref<79x128xi32, #tpu.memory_space<hbm>>
      tpu.wait_dma2 semaphore(%run_scoped3A : memref<!tpu.dma_semaphore, #tpu.memory_space<semaphore_mem>>) src(%dma_wait3A_40 : memref<79x128xi32, #tpu.memory_space<hbm>>) dst(%arg6 : memref<79x128xi32, #tpu.memory_space<vmem>>)
      tpu.yield
    }) : () -> ()
    "tpu.region"() ({
      %run_scoped3A = tpu.sem_alloc : memref<!tpu.dma_semaphore, #tpu.memory_space<semaphore_mem>>
      %dma_start3A = arith.constant 0 : i32
      %dma_start3A_27 = arith.constant 0 : i32
      %dma_start3A_28 = tpu.memref_slice %arg3[%add3A, %dma_start3A, %dma_start3A_27] : memref<32x79x128xi32, #tpu.memory_space<hbm>> -> memref<1x79x128xi32, #tpu.memory_space<hbm>>
      %dma_start3A_29 = tpu.memref_squeeze %dma_start3A_28 : memref<1x79x128xi32, #tpu.memory_space<hbm>> -> memref<79x128xi32, #tpu.memory_space<hbm>>
      %dma_start3A_30 = arith.constant 0 : i32
      %dma_start3A_31 = arith.constant 0 : i32
      %dma_start3A_32 = tpu.memref_slice %arg3[%add3A, %dma_start3A_30, %dma_start3A_31] : memref<32x79x128xi32, #tpu.memory_space<hbm>> -> memref<1x79x128xi32, #tpu.memory_space<hbm>>
      %dma_start3A_33 = tpu.memref_squeeze %dma_start3A_32 : memref<1x79x128xi32, #tpu.memory_space<hbm>> -> memref<79x128xi32, #tpu.memory_space<hbm>>
      tpu.enqueue_dma source(%dma_start3A_33 : memref<79x128xi32, #tpu.memory_space<hbm>>) target(%arg7 : memref<79x128xi32, #tpu.memory_space<vmem>>) target_semaphore(%run_scoped3A : memref<!tpu.dma_semaphore, #tpu.memory_space<semaphore_mem>>)
      %dma_wait3A = arith.constant 0 : i32
      %dma_wait3A_34 = arith.constant 0 : i32
      %dma_wait3A_35 = tpu.memref_slice %arg3[%add3A, %dma_wait3A, %dma_wait3A_34] : memref<32x79x128xi32, #tpu.memory_space<hbm>> -> memref<1x79x128xi32, #tpu.memory_space<hbm>>
      %dma_wait3A_36 = tpu.memref_squeeze %dma_wait3A_35 : memref<1x79x128xi32, #tpu.memory_space<hbm>> -> memref<79x128xi32, #tpu.memory_space<hbm>>
      %dma_wait3A_37 = arith.constant 0 : i32
      %dma_wait3A_38 = arith.constant 0 : i32
      %dma_wait3A_39 = tpu.memref_slice %arg3[%add3A, %dma_wait3A_37, %dma_wait3A_38] : memref<32x79x128xi32, #tpu.memory_space<hbm>> -> memref<1x79x128xi32, #tpu.memory_space<hbm>>
      %dma_wait3A_40 = tpu.memref_squeeze %dma_wait3A_39 : memref<1x79x128xi32, #tpu.memory_space<hbm>> -> memref<79x128xi32, #tpu.memory_space<hbm>>
      tpu.wait_dma2 semaphore(%run_scoped3A : memref<!tpu.dma_semaphore, #tpu.memory_space<semaphore_mem>>) src(%dma_wait3A_40 : memref<79x128xi32, #tpu.memory_space<hbm>>) dst(%arg7 : memref<79x128xi32, #tpu.memory_space<vmem>>)
      tpu.yield
    }) : () -> ()
    %scan3A = arith.constant 0 : i32
    %scan3A_1 = arith.constant 0 : i32
    %scan3A_2 = arith.constant 1024 : i32
    %scan3A_3 = arith.addi %scan3A_1, %scan3A_2 : i32
    %scan3A_4 = arith.constant 1 : i32
    %scan3A_5 = scf.for %scan3A_27 = %scan3A_1 to %scan3A_3 step %scan3A_4 iter_args(%scan3A_28 = %scan3A) -> (i32)  : i32 {
      %jit3A = arith.constant 8 : i32
      %div3A = arith.divsi %scan3A_27, %jit3A : i32
      %sign3A = arith.constant 0 : i32
      %sign3A_29 = arith.cmpi sgt, %scan3A_27, %sign3A : i32
      %sign3A_30 = arith.extui %sign3A_29 : i1 to i32
      %sign3A_31 = arith.constant 0 : i32
      %sign3A_32 = arith.cmpi slt, %scan3A_27, %sign3A_31 : i32
      %sign3A_33 = arith.extui %sign3A_32 : i1 to i32
      %sign3A_34 = arith.subi %sign3A_30, %sign3A_33 : i32
      %sign3A_35 = arith.constant 0 : i32
      %sign3A_36 = arith.cmpi sgt, %jit3A, %sign3A_35 : i32
      %sign3A_37 = arith.extui %sign3A_36 : i1 to i32
      %sign3A_38 = arith.constant 0 : i32
      %sign3A_39 = arith.cmpi slt, %jit3A, %sign3A_38 : i32
      %sign3A_40 = arith.extui %sign3A_39 : i1 to i32
      %sign3A_41 = arith.subi %sign3A_37, %sign3A_40 : i32
      %ne3A = arith.cmpi ne, %sign3A_34, %sign3A_41 : i32
      %rem3A = arith.remsi %scan3A_27, %jit3A : i32
      %ne3A_42 = arith.constant 0 : i32
      %ne3A_43 = arith.cmpi ne, %rem3A, %ne3A_42 : i32
      %and3A = arith.andi %ne3A, %ne3A_43 : i1
      %sub3A = arith.constant 1 : i32
      %sub3A_44 = arith.subi %div3A, %sub3A : i32
      %select_n3A = arith.select %and3A, %sub3A_44, %div3A : i32
      %jit3A_45 = arith.constant 8 : i32
      %eq3A = arith.constant 0 : i32
      %eq3A_46 = arith.cmpi eq, %jit3A_45, %eq3A : i32
      %jit3A_47 = arith.constant 1 : i32
      %select_n3A_48 = arith.select %eq3A_46, %jit3A_47, %jit3A_45 : i32
      %rem3A_49 = arith.remsi %scan3A_27, %select_n3A_48 : i32
      %ne3A_50 = arith.constant 0 : i32
      %ne3A_51 = arith.cmpi ne, %rem3A_49, %ne3A_50 : i32
      %lt3A = arith.constant 0 : i32
      %lt3A_52 = arith.cmpi slt, %rem3A_49, %lt3A : i32
      %lt3A_53 = arith.constant 0 : i32
      %lt3A_54 = arith.cmpi slt, %select_n3A_48, %lt3A_53 : i32
      %ne3A_55 = arith.xori %lt3A_52, %lt3A_54 : i1
      %and3A_56 = arith.andi %ne3A_55, %ne3A_51 : i1
      %add3A_57 = arith.addi %rem3A_49, %select_n3A_48 : i32
      %select_n3A_58 = arith.select %and3A_56, %add3A_57, %rem3A_49 : i32
      %mul3A_59 = arith.constant 16 : i32
      %mul3A_60 = arith.muli %select_n3A_58, %mul3A_59 : i32
      %broadcast_in_dim3A = arith.constant 0.000000e+00 : f32
      %broadcast_in_dim3A_61 = vector.broadcast %broadcast_in_dim3A : f32 to vector<16xf32>
      %swap3A = arith.index_cast %select_n3A : i32 to index
      %swap3A_62 = arith.index_cast %mul3A_60 : i32 to index
      %swap3A_63 = tpu.vector_load %arg8[%swap3A, %swap3A_62] {strides = array<i32>} : memref<128x128xf32, #tpu.memory_space<vmem>>, vector<1x16xf32>,
      %swap3A_64 = vector.shape_cast %swap3A_63 : vector<1x16xf32> to vector<16xf32>
      %swap3A_65 = vector.shape_cast %broadcast_in_dim3A_61 : vector<16xf32> to vector<1x16xf32>
      tpu.vector_store %arg8[%swap3A, %swap3A_62], %swap3A_65 {strides = array<i32>} : memref<128x128xf32, #tpu.memory_space<vmem>>, vector<1x16xf32>,
      %scan3A_66 = arith.constant 0 : i32
      scf.yield %scan3A_66 : i32
    }
    %scan3A_6 = arith.constant 1024 : i32
    %mul3A_7 = arith.constant 640 : i32
    %mul3A_8 = arith.muli %arg1, %mul3A_7 : i32
    %add3A_9 = arith.constant 0 : i32
    %add3A_10 = arith.addi %mul3A_8, %add3A_9 : i32
    "tpu.region"() ({
      %run_scoped3A = tpu.sem_alloc : memref<!tpu.dma_semaphore, #tpu.memory_space<semaphore_mem>>
      %dma_start3A = arith.constant 0 : i32
      %dma_start3A_27 = tpu.memref_slice %arg9[%add3A_10, %dma_start3A] : memref<10240x128xf32, #tpu.memory_space<vmem_shared>> -> memref<128x128xf32, #tpu.memory_space<vmem_shared>>
      %dma_start3A_28 = arith.constant 0 : i32
      %dma_start3A_29 = tpu.memref_slice %arg9[%add3A_10, %dma_start3A_28] : memref<10240x128xf32, #tpu.memory_space<vmem_shared>> -> memref<128x128xf32, #tpu.memory_space<vmem_shared>>
      tpu.enqueue_dma source(%arg8 : memref<128x128xf32, #tpu.memory_space<vmem>>) target(%dma_start3A_29 : memref<128x128xf32, #tpu.memory_space<vmem_shared>>) target_semaphore(%run_scoped3A : memref<!tpu.dma_semaphore, #tpu.memory_space<semaphore_mem>>)
      %dma_wait3A = arith.constant 0 : i32
      %dma_wait3A_30 = tpu.memref_slice %arg9[%add3A_10, %dma_wait3A] : memref<10240x128xf32, #tpu.memory_space<vmem_shared>> -> memref<128x128xf32, #tpu.memory_space<vmem_shared>>
      %dma_wait3A_31 = arith.constant 0 : i32
      %dma_wait3A_32 = tpu.memref_slice %arg9[%add3A_10, %dma_wait3A_31] : memref<10240x128xf32, #tpu.memory_space<vmem_shared>> -> memref<128x128xf32, #tpu.memory_space<vmem_shared>>
      tpu.wait_dma2 semaphore(%run_scoped3A : memref<!tpu.dma_semaphore, #tpu.memory_space<semaphore_mem>>) src(%arg8 : memref<128x128xf32, #tpu.memory_space<vmem>>) dst(%dma_wait3A_32 : memref<128x128xf32, #tpu.memory_space<vmem_shared>>)
      tpu.yield
    }) : () -> ()
    %add3A_11 = arith.constant 128 : i32
    %add3A_12 = arith.addi %mul3A_8, %add3A_11 : i32
    "tpu.region"() ({
      %run_scoped3A = tpu.sem_alloc : memref<!tpu.dma_semaphore, #tpu.memory_space<semaphore_mem>>
      %dma_start3A = arith.constant 0 : i32
      %dma_start3A_27 = tpu.memref_slice %arg9[%add3A_12, %dma_start3A] : memref<10240x128xf32, #tpu.memory_space<vmem_shared>> -> memref<128x128xf32, #tpu.memory_space<vmem_shared>>
      %dma_start3A_28 = arith.constant 0 : i32
      %dma_start3A_29 = tpu.memref_slice %arg9[%add3A_12, %dma_start3A_28] : memref<10240x128xf32, #tpu.memory_space<vmem_shared>> -> memref<128x128xf32, #tpu.memory_space<vmem_shared>>
      tpu.enqueue_dma source(%arg8 : memref<128x128xf32, #tpu.memory_space<vmem>>) target(%dma_start3A_29 : memref<128x128xf32, #tpu.memory_space<vmem_shared>>) target_semaphore(%run_scoped3A : memref<!tpu.dma_semaphore, #tpu.memory_space<semaphore_mem>>)
      %dma_wait3A = arith.constant 0 : i32
      %dma_wait3A_30 = tpu.memref_slice %arg9[%add3A_12, %dma_wait3A] : memref<10240x128xf32, #tpu.memory_space<vmem_shared>> -> memref<128x128xf32, #tpu.memory_space<vmem_shared>>
      %dma_wait3A_31 = arith.constant 0 : i32
      %dma_wait3A_32 = tpu.memref_slice %arg9[%add3A_12, %dma_wait3A_31] : memref<10240x128xf32, #tpu.memory_space<vmem_shared>> -> memref<128x128xf32, #tpu.memory_space<vmem_shared>>
      tpu.wait_dma2 semaphore(%run_scoped3A : memref<!tpu.dma_semaphore, #tpu.memory_space<semaphore_mem>>) src(%arg8 : memref<128x128xf32, #tpu.memory_space<vmem>>) dst(%dma_wait3A_32 : memref<128x128xf32, #tpu.memory_space<vmem_shared>>)
      tpu.yield
    }) : () -> ()
    %add3A_13 = arith.constant 256 : i32
    %add3A_14 = arith.addi %mul3A_8, %add3A_13 : i32
    "tpu.region"() ({
      %run_scoped3A = tpu.sem_alloc : memref<!tpu.dma_semaphore, #tpu.memory_space<semaphore_mem>>
      %dma_start3A = arith.constant 0 : i32
      %dma_start3A_27 = tpu.memref_slice %arg9[%add3A_14, %dma_start3A] : memref<10240x128xf32, #tpu.memory_space<vmem_shared>> -> memref<128x128xf32, #tpu.memory_space<vmem_shared>>
      %dma_start3A_28 = arith.constant 0 : i32
      %dma_start3A_29 = tpu.memref_slice %arg9[%add3A_14, %dma_start3A_28] : memref<10240x128xf32, #tpu.memory_space<vmem_shared>> -> memref<128x128xf32, #tpu.memory_space<vmem_shared>>
      tpu.enqueue_dma source(%arg8 : memref<128x128xf32, #tpu.memory_space<vmem>>) target(%dma_start3A_29 : memref<128x128xf32, #tpu.memory_space<vmem_shared>>) target_semaphore(%run_scoped3A : memref<!tpu.dma_semaphore, #tpu.memory_space<semaphore_mem>>)
      %dma_wait3A = arith.constant 0 : i32
      %dma_wait3A_30 = tpu.memref_slice %arg9[%add3A_14, %dma_wait3A] : memref<10240x128xf32, #tpu.memory_space<vmem_shared>> -> memref<128x128xf32, #tpu.memory_space<vmem_shared>>
      %dma_wait3A_31 = arith.constant 0 : i32
      %dma_wait3A_32 = tpu.memref_slice %arg9[%add3A_14, %dma_wait3A_31] : memref<10240x128xf32, #tpu.memory_space<vmem_shared>> -> memref<128x128xf32, #tpu.memory_space<vmem_shared>>
      tpu.wait_dma2 semaphore(%run_scoped3A : memref<!tpu.dma_semaphore, #tpu.memory_space<semaphore_mem>>) src(%arg8 : memref<128x128xf32, #tpu.memory_space<vmem>>) dst(%dma_wait3A_32 : memref<128x128xf32, #tpu.memory_space<vmem_shared>>)
      tpu.yield
    }) : () -> ()
    %add3A_15 = arith.constant 384 : i32
    %add3A_16 = arith.addi %mul3A_8, %add3A_15 : i32
    "tpu.region"() ({
      %run_scoped3A = tpu.sem_alloc : memref<!tpu.dma_semaphore, #tpu.memory_space<semaphore_mem>>
      %dma_start3A = arith.constant 0 : i32
      %dma_start3A_27 = tpu.memref_slice %arg9[%add3A_16, %dma_start3A] : memref<10240x128xf32, #tpu.memory_space<vmem_shared>> -> memref<128x128xf32, #tpu.memory_space<vmem_shared>>
      %dma_start3A_28 = arith.constant 0 : i32
      %dma_start3A_29 = tpu.memref_slice %arg9[%add3A_16, %dma_start3A_28] : memref<10240x128xf32, #tpu.memory_space<vmem_shared>> -> memref<128x128xf32, #tpu.memory_space<vmem_shared>>
      tpu.enqueue_dma source(%arg8 : memref<128x128xf32, #tpu.memory_space<vmem>>) target(%dma_start3A_29 : memref<128x128xf32, #tpu.memory_space<vmem_shared>>) target_semaphore(%run_scoped3A : memref<!tpu.dma_semaphore, #tpu.memory_space<semaphore_mem>>)
      %dma_wait3A = arith.constant 0 : i32
      %dma_wait3A_30 = tpu.memref_slice %arg9[%add3A_16, %dma_wait3A] : memref<10240x128xf32, #tpu.memory_space<vmem_shared>> -> memref<128x128xf32, #tpu.memory_space<vmem_shared>>
      %dma_wait3A_31 = arith.constant 0 : i32
      %dma_wait3A_32 = tpu.memref_slice %arg9[%add3A_16, %dma_wait3A_31] : memref<10240x128xf32, #tpu.memory_space<vmem_shared>> -> memref<128x128xf32, #tpu.memory_space<vmem_shared>>
      tpu.wait_dma2 semaphore(%run_scoped3A : memref<!tpu.dma_semaphore, #tpu.memory_space<semaphore_mem>>) src(%arg8 : memref<128x128xf32, #tpu.memory_space<vmem>>) dst(%dma_wait3A_32 : memref<128x128xf32, #tpu.memory_space<vmem_shared>>)
      tpu.yield
    }) : () -> ()
    %add3A_17 = arith.constant 512 : i32
    %add3A_18 = arith.addi %mul3A_8, %add3A_17 : i32
    "tpu.region"() ({
      %run_scoped3A = tpu.sem_alloc : memref<!tpu.dma_semaphore, #tpu.memory_space<semaphore_mem>>
      %dma_start3A = arith.constant 0 : i32
      %dma_start3A_27 = tpu.memref_slice %arg9[%add3A_18, %dma_start3A] : memref<10240x128xf32, #tpu.memory_space<vmem_shared>> -> memref<128x128xf32, #tpu.memory_space<vmem_shared>>
      %dma_start3A_28 = arith.constant 0 : i32
      %dma_start3A_29 = tpu.memref_slice %arg9[%add3A_18, %dma_start3A_28] : memref<10240x128xf32, #tpu.memory_space<vmem_shared>> -> memref<128x128xf32, #tpu.memory_space<vmem_shared>>
      tpu.enqueue_dma source(%arg8 : memref<128x128xf32, #tpu.memory_space<vmem>>) target(%dma_start3A_29 : memref<128x128xf32, #tpu.memory_space<vmem_shared>>) target_semaphore(%run_scoped3A : memref<!tpu.dma_semaphore, #tpu.memory_space<semaphore_mem>>)
      %dma_wait3A = arith.constant 0 : i32
      %dma_wait3A_30 = tpu.memref_slice %arg9[%add3A_18, %dma_wait3A] : memref<10240x128xf32, #tpu.memory_space<vmem_shared>> -> memref<128x128xf32, #tpu.memory_space<vmem_shared>>
      %dma_wait3A_31 = arith.constant 0 : i32
      %dma_wait3A_32 = tpu.memref_slice %arg9[%add3A_18, %dma_wait3A_31] : memref<10240x128xf32, #tpu.memory_space<vmem_shared>> -> memref<128x128xf32, #tpu.memory_space<vmem_shared>>
      tpu.wait_dma2 semaphore(%run_scoped3A : memref<!tpu.dma_semaphore, #tpu.memory_space<semaphore_mem>>) src(%arg8 : memref<128x128xf32, #tpu.memory_space<vmem>>) dst(%dma_wait3A_32 : memref<128x128xf32, #tpu.memory_space<vmem_shared>>)
      tpu.yield
    }) : () -> ()
    %barrier3A = arith.constant 0 : index
    tpu.barrier barrier_id(%barrier3A)
    %scan3A_19 = arith.constant 0 : i32
    %scan3A_20 = arith.constant 0 : i32
    %scan3A_21 = arith.constant 79 : i32
    %scan3A_22 = arith.addi %scan3A_20, %scan3A_21 : i32
    %scan3A_23 = arith.constant 1 : i32
    %scan3A_24 = scf.for %scan3A_27 = %scan3A_20 to %scan3A_22 step %scan3A_23 iter_args(%scan3A_28 = %scan3A_19) -> (i32)  : i32 {
      %dma_start3A = arith.constant 0 : i32
      %dma_start3A_29 = tpu.memref_slice %arg6[%scan3A_27, %dma_start3A] : memref<79x128xi32, #tpu.memory_space<vmem>> -> memref<1x128xi32, #tpu.memory_space<vmem>>
      %dma_start3A_30 = tpu.memref_squeeze %dma_start3A_29 : memref<1x128xi32, #tpu.memory_space<vmem>> -> memref<128xi32, #tpu.memory_space<vmem>>
      %dma_start3A_31 = arith.constant 0 : i32
      %dma_start3A_32 = arith.constant 0 : i32
      %dma_start3A_33 = tpu.memref_slice %arg4[%dma_start3A_31, %dma_start3A_32] : memref<10240x128xf32, #tpu.memory_space<hbm>> -> memref<10240x128xf32, #tpu.memory_space<hbm>>
      tpu.enqueue_indirect_dma source(%dma_start3A_33 : memref<10240x128xf32, #tpu.memory_space<hbm>>) target(%arg8 : memref<128x128xf32, #tpu.memory_space<vmem>>) offsets(%dma_start3A_30 : memref<128xi32, #tpu.memory_space<vmem>>) semaphore(%arg10 : memref<!tpu.dma_semaphore, #tpu.memory_space<semaphore_mem>>)
      %dma_wait3A = arith.constant 0 : i32
      %dma_wait3A_34 = tpu.memref_slice %arg6[%scan3A_27, %dma_wait3A] : memref<79x128xi32, #tpu.memory_space<vmem>> -> memref<1x128xi32, #tpu.memory_space<vmem>>
      %dma_wait3A_35 = tpu.memref_squeeze %dma_wait3A_34 : memref<1x128xi32, #tpu.memory_space<vmem>> -> memref<128xi32, #tpu.memory_space<vmem>>
      %dma_wait3A_36 = arith.constant 0 : i32
      %dma_wait3A_37 = arith.constant 0 : i32
      %dma_wait3A_38 = tpu.memref_slice %arg4[%dma_wait3A_36, %dma_wait3A_37] : memref<10240x128xf32, #tpu.memory_space<hbm>> -> memref<10240x128xf32, #tpu.memory_space<hbm>>
      tpu.wait_indirect_dma semaphore(%arg10 : memref<!tpu.dma_semaphore, #tpu.memory_space<semaphore_mem>>) src(%dma_wait3A_38 : memref<10240x128xf32, #tpu.memory_space<hbm>>) dst(%arg8 : memref<128x128xf32, #tpu.memory_space<vmem>>)
      "tpu.region"() ({
        %run_scoped3A = tpu.sem_alloc : memref<!tpu.dma_semaphore, #tpu.memory_space<semaphore_mem>>
        %dma_start3A_40 = arith.constant 0 : i32
        %dma_start3A_41 = tpu.memref_slice %arg7[%scan3A_27, %dma_start3A_40] : memref<79x128xi32, #tpu.memory_space<vmem>> -> memref<1x128xi32, #tpu.memory_space<vmem>>
        %dma_start3A_42 = tpu.memref_squeeze %dma_start3A_41 : memref<1x128xi32, #tpu.memory_space<vmem>> -> memref<128xi32, #tpu.memory_space<vmem>>
        %dma_start3A_43 = arith.constant 0 : i32
        %dma_start3A_44 = arith.constant 0 : i32
        %dma_start3A_45 = tpu.memref_slice %arg9[%dma_start3A_43, %dma_start3A_44] : memref<10240x128xf32, #tpu.memory_space<vmem_shared>> -> memref<10240x128xf32, #tpu.memory_space<vmem_shared>>
        tpu.enqueue_indirect_dma source(%arg8 : memref<128x128xf32, #tpu.memory_space<vmem>>) target(%dma_start3A_45 : memref<10240x128xf32, #tpu.memory_space<vmem_shared>>) offsets(%dma_start3A_42 : memref<128xi32, #tpu.memory_space<vmem>>) semaphore(%run_scoped3A : memref<!tpu.dma_semaphore, #tpu.memory_space<semaphore_mem>>) {add = true}
        %dma_wait3A_46 = arith.constant 0 : i32
        %dma_wait3A_47 = tpu.memref_slice %arg7[%scan3A_27, %dma_wait3A_46] : memref<79x128xi32, #tpu.memory_space<vmem>> -> memref<1x128xi32, #tpu.memory_space<vmem>>
        %dma_wait3A_48 = tpu.memref_squeeze %dma_wait3A_47 : memref<1x128xi32, #tpu.memory_space<vmem>> -> memref<128xi32, #tpu.memory_space<vmem>>
        %dma_wait3A_49 = arith.constant 0 : i32
        %dma_wait3A_50 = arith.constant 0 : i32
        %dma_wait3A_51 = tpu.memref_slice %arg9[%dma_wait3A_49, %dma_wait3A_50] : memref<10240x128xf32, #tpu.memory_space<vmem_shared>> -> memref<10240x128xf32, #tpu.memory_space<vmem_shared>>
        tpu.wait_indirect_dma semaphore(%run_scoped3A : memref<!tpu.dma_semaphore, #tpu.memory_space<semaphore_mem>>) src(%arg8 : memref<128x128xf32, #tpu.memory_space<vmem>>) dst(%dma_wait3A_51 : memref<10240x128xf32, #tpu.memory_space<vmem_shared>>)
        tpu.yield
      }) : () -> ()
      %scan3A_39 = arith.constant 0 : i32
      scf.yield %scan3A_39 : i32
    }
    %scan3A_25 = arith.constant 79 : i32
    %barrier3A_26 = arith.constant 0 : index
    tpu.barrier barrier_id(%barrier3A_26)
    "tpu.region"() ({
      %run_scoped3A = tpu.sem_alloc : memref<!tpu.dma_semaphore, #tpu.memory_space<semaphore_mem>>
      %dma_start3A = arith.constant 0 : i32
      %dma_start3A_27 = arith.constant 0 : i32
      %dma_start3A_28 = tpu.memref_slice %arg5[%arg0, %dma_start3A, %dma_start3A_27] : memref<2x10240x128xf32, #tpu.memory_space<hbm>> -> memref<1x10240x128xf32, #tpu.memory_space<hbm>>
      %dma_start3A_29 = tpu.memref_squeeze %dma_start3A_28 : memref<1x10240x128xf32, #tpu.memory_space<hbm>> -> memref<10240x128xf32, #tpu.memory_space<hbm>>
      %dma_start3A_30 = arith.constant 0 : i32
      %dma_start3A_31 = tpu.memref_slice %dma_start3A_29[%mul3A_8, %dma_start3A_30] : memref<10240x128xf32, #tpu.memory_space<hbm>> -> memref<640x128xf32, #tpu.memory_space<hbm>>
      %dma_start3A_32 = arith.constant 0 : i32
      %dma_start3A_33 = tpu.memref_slice %arg9[%mul3A_8, %dma_start3A_32] : memref<10240x128xf32, #tpu.memory_space<vmem_shared>> -> memref<640x128xf32, #tpu.memory_space<vmem_shared>>
      tpu.enqueue_dma source(%dma_start3A_33 : memref<640x128xf32, #tpu.memory_space<vmem_shared>>) target(%dma_start3A_31 : memref<640x128xf32, #tpu.memory_space<hbm>>) target_semaphore(%run_scoped3A : memref<!tpu.dma_semaphore, #tpu.memory_space<semaphore_mem>>)
      %dma_wait3A = arith.constant 0 : i32
      %dma_wait3A_34 = arith.constant 0 : i32
      %dma_wait3A_35 = tpu.memref_slice %arg5[%arg0, %dma_wait3A, %dma_wait3A_34] : memref<2x10240x128xf32, #tpu.memory_space<hbm>> -> memref<1x10240x128xf32, #tpu.memory_space<hbm>>
      %dma_wait3A_36 = tpu.memref_squeeze %dma_wait3A_35 : memref<1x10240x128xf32, #tpu.memory_space<hbm>> -> memref<10240x128xf32, #tpu.memory_space<hbm>>
      %dma_wait3A_37 = arith.constant 0 : i32
      %dma_wait3A_38 = tpu.memref_slice %dma_wait3A_36[%mul3A_8, %dma_wait3A_37] : memref<10240x128xf32, #tpu.memory_space<hbm>> -> memref<640x128xf32, #tpu.memory_space<hbm>>
      %dma_wait3A_39 = arith.constant 0 : i32
      %dma_wait3A_40 = tpu.memref_slice %arg9[%mul3A_8, %dma_wait3A_39] : memref<10240x128xf32, #tpu.memory_space<vmem_shared>> -> memref<640x128xf32, #tpu.memory_space<vmem_shared>>
      tpu.wait_dma2 semaphore(%run_scoped3A : memref<!tpu.dma_semaphore, #tpu.memory_space<semaphore_mem>>) src(%dma_wait3A_40 : memref<640x128xf32, #tpu.memory_space<vmem_shared>>) dst(%dma_wait3A_38 : memref<640x128xf32, #tpu.memory_space<hbm>>)
      tpu.yield
    }) : () -> ()
    return
  }
}

module attributes {stable_mosaic.version = 14 : i64} {
  func.func @_mm_body(%arg0: memref<10240x128xf32, #tpu.memory_space<vmem>>, %arg1: memref<128x128xf32, #tpu.memory_space<vmem>>, %arg2: memref<10240x128xf32, #tpu.memory_space<vmem>>) attributes {dimension_semantics = [], scalar_prefetch = 0 : i64, scratch_operands = 0 : i64, tpu.core_type = #tpu.core_type<tc>} {
    %get3A = arith.constant 0 : index
    %get3A_0 = arith.constant 0 : index
    %get3A_1 = vector.load %arg0[%get3A, %get3A_0] : memref<10240x128xf32, #tpu.memory_space<vmem>>, vector<10240x128xf32>
    %get3A_2 = arith.constant 0 : index
    %get3A_3 = arith.constant 0 : index
    %get3A_4 = vector.load %arg1[%get3A_2, %get3A_3] : memref<128x128xf32, #tpu.memory_space<vmem>>, vector<128x128xf32>
    %dot_general3A = arith.constant dense<0.000000e+00> : vector<10240x128xf32>
    %dot_general3A_5 = tpu.matmul %get3A_1, %get3A_4, %dot_general3A {dimension_numbers = #tpu.dot_dimension_numbers<[1], [0], [0], [1], [0, 0, 1, 1], [], []>, transpose_lhs_hint = false} : vector<10240x128xf32>, vector<128x128xf32>, vector<10240x128xf32> -> vector<10240x128xf32>
    %swap3A = arith.constant 0 : index
    %swap3A_6 = arith.constant 0 : index
    %swap3A_7 = vector.load %arg2[%swap3A, %swap3A_6] : memref<10240x128xf32, #tpu.memory_space<vmem>>, vector<10240x128xf32>
    tpu.vector_store %arg2[%swap3A, %swap3A_6], %dot_general3A_5 {strides = array<i32>} : memref<10240x128xf32, #tpu.memory_space<vmem>>, vector<10240x128xf32>,
    return
  }
}

module attributes {stable_mosaic.version = 14 : i64} {
  func.func @_scale_body(%arg0: memref<10240x128xf32, #tpu.memory_space<vmem>>, %arg1: memref<2x10240x16xf32, #tpu.memory_space<vmem>>, %arg2: memref<10240x128xf32, #tpu.memory_space<vmem>>, %arg3: memref<10240x128xf32, #tpu.memory_space<vmem>>) attributes {dimension_semantics = [], scalar_prefetch = 0 : i64, scratch_operands = 0 : i64, tpu.core_type = #tpu.core_type<tc>} {
    %get3A = arith.constant 0 : index
    %get3A_0 = arith.constant 0 : index
    %get3A_1 = arith.constant 0 : index
    %get3A_2 = vector.load %arg1[%get3A, %get3A_0, %get3A_1] : memref<2x10240x16xf32, #tpu.memory_space<vmem>>, vector<2x10240x16xf32>
    %slice3A = vector.extract_strided_slice %get3A_2 {offsets = [0, 0, 0], sizes = [1, 10240, 1], strides = [1, 1, 1]} : vector<2x10240x16xf32> to vector<1x10240x1xf32>
    %squeeze3A = vector.shape_cast %slice3A : vector<1x10240x1xf32> to vector<10240x1xf32>
    %slice3A_3 = vector.extract_strided_slice %get3A_2 {offsets = [1, 0, 0], sizes = [1, 10240, 1], strides = [1, 1, 1]} : vector<2x10240x16xf32> to vector<1x10240x1xf32>
    %squeeze3A_4 = vector.shape_cast %slice3A_3 : vector<1x10240x1xf32> to vector<10240x1xf32>
    %add3A = arith.addf %squeeze3A, %squeeze3A_4 : vector<10240x1xf32>
    %add3A_5 = arith.constant 1.000000e+00 : f32
    %add3A_6 = vector.broadcast %add3A_5 : f32 to vector<10240x1xf32>
    %add3A_7 = arith.addf %add3A, %add3A_6 : vector<10240x1xf32>
    %rsqrt3A = math.rsqrt %add3A_7 : vector<10240x1xf32>
    %iota3A = tpu.iota {dimensions = array<i32: 0>} : vector<10240x1xi32>
    %lt3A = arith.constant 10000 : i32
    %lt3A_8 = vector.broadcast %lt3A : i32 to vector<10240x1xi32>
    %lt3A_9 = arith.cmpi slt, %iota3A, %lt3A_8 : vector<10240x1xi32>
    %jit3A = arith.constant 0.000000e+00 : f32
    %broadcast_in_dim3A = vector.broadcast %jit3A : f32 to vector<10240x1xf32>
    %select_n3A = arith.select %lt3A_9, %rsqrt3A, %broadcast_in_dim3A : vector<10240x1xi1>, vector<10240x1xf32>
    %broadcast_in_dim3A_10 = vector.shape_cast %select_n3A : vector<10240x1xf32> to vector<10240x1xf32>
    %broadcast_in_dim3A_11 = vector.broadcast %broadcast_in_dim3A_10 : vector<10240x1xf32> to vector<10240x128xf32>
    %swap3A = arith.constant 0 : index
    %swap3A_12 = arith.constant 0 : index
    %swap3A_13 = vector.load %arg3[%swap3A, %swap3A_12] : memref<10240x128xf32, #tpu.memory_space<vmem>>, vector<10240x128xf32>
    tpu.vector_store %arg3[%swap3A, %swap3A_12], %broadcast_in_dim3A_11 {strides = array<i32>} : memref<10240x128xf32, #tpu.memory_space<vmem>>, vector<10240x128xf32>,
    %get3A_14 = arith.constant 0 : index
    %get3A_15 = arith.constant 0 : index
    %get3A_16 = vector.load %arg0[%get3A_14, %get3A_15] : memref<10240x128xf32, #tpu.memory_space<vmem>>, vector<10240x128xf32>
    %mul3A = arith.mulf %get3A_16, %broadcast_in_dim3A_11 : vector<10240x128xf32>
    %swap3A_17 = arith.constant 0 : index
    %swap3A_18 = arith.constant 0 : index
    %swap3A_19 = vector.load %arg2[%swap3A_17, %swap3A_18] : memref<10240x128xf32, #tpu.memory_space<vmem>>, vector<10240x128xf32>
    tpu.vector_store %arg2[%swap3A_17, %swap3A_18], %mul3A {strides = array<i32>} : memref<10240x128xf32, #tpu.memory_space<vmem>>, vector<10240x128xf32>,
    return
  }
}

module attributes {stable_mosaic.version = 14 : i64} {
  func.func @_layer_body(%arg0: memref<2x10240x128xf32, #tpu.memory_space<vmem>>, %arg1: memref<10240x128xf32, #tpu.memory_space<vmem>>, %arg2: memref<10240x128xf32, #tpu.memory_space<vmem>>, %arg3: memref<1x128xf32, #tpu.memory_space<vmem>>, %arg4: memref<128x128xf32, #tpu.memory_space<vmem>>, %arg5: memref<10240x128xf32, #tpu.memory_space<vmem>>) attributes {dimension_semantics = [], scalar_prefetch = 0 : i64, scratch_operands = 0 : i64, tpu.core_type = #tpu.core_type<tc>} {
    %get3A = arith.constant 0 : index
    %get3A_0 = arith.constant 0 : index
    %get3A_1 = arith.constant 0 : index
    %get3A_2 = vector.load %arg0[%get3A, %get3A_0, %get3A_1] : memref<2x10240x128xf32, #tpu.memory_space<vmem>>, vector<1x10240x128xf32>
    %get3A_3 = vector.shape_cast %get3A_2 : vector<1x10240x128xf32> to vector<10240x128xf32>
    %get3A_4 = arith.constant 1 : index
    %get3A_5 = arith.constant 0 : index
    %get3A_6 = arith.constant 0 : index
    %get3A_7 = vector.load %arg0[%get3A_4, %get3A_5, %get3A_6] : memref<2x10240x128xf32, #tpu.memory_space<vmem>>, vector<1x10240x128xf32>
    %get3A_8 = vector.shape_cast %get3A_7 : vector<1x10240x128xf32> to vector<10240x128xf32>
    %add3A = arith.addf %get3A_3, %get3A_8 : vector<10240x128xf32>
    %get3A_9 = arith.constant 0 : index
    %get3A_10 = arith.constant 0 : index
    %get3A_11 = vector.load %arg1[%get3A_9, %get3A_10] : memref<10240x128xf32, #tpu.memory_space<vmem>>, vector<10240x128xf32>
    %add3A_12 = arith.addf %add3A, %get3A_11 : vector<10240x128xf32>
    %get3A_13 = arith.constant 0 : index
    %get3A_14 = arith.constant 0 : index
    %get3A_15 = vector.load %arg2[%get3A_13, %get3A_14] : memref<10240x128xf32, #tpu.memory_space<vmem>>, vector<10240x128xf32>
    %mul3A = arith.mulf %add3A_12, %get3A_15 : vector<10240x128xf32>
    %get3A_16 = arith.constant 0 : index
    %get3A_17 = arith.constant 0 : index
    %get3A_18 = vector.load %arg3[%get3A_16, %get3A_17] : memref<1x128xf32, #tpu.memory_space<vmem>>, vector<1x128xf32>
    %add3A_19 = vector.broadcast %get3A_18 : vector<1x128xf32> to vector<10240x128xf32>
    %add3A_20 = arith.addf %mul3A, %add3A_19 : vector<10240x128xf32>
    %max3A = arith.constant 0.000000e+00 : f32
    %max3A_21 = vector.broadcast %max3A : f32 to vector<10240x128xf32>
    %max3A_22 = arith.maximumf %add3A_20, %max3A_21 : vector<10240x128xf32>
    %get3A_23 = arith.constant 0 : index
    %get3A_24 = arith.constant 0 : index
    %get3A_25 = vector.load %arg4[%get3A_23, %get3A_24] : memref<128x128xf32, #tpu.memory_space<vmem>>, vector<128x128xf32>
    %dot_general3A = arith.constant dense<0.000000e+00> : vector<10240x128xf32>
    %dot_general3A_26 = tpu.matmul %max3A_22, %get3A_25, %dot_general3A {dimension_numbers = #tpu.dot_dimension_numbers<[1], [0], [0], [1], [0, 0, 1, 1], [], []>, transpose_lhs_hint = false} : vector<10240x128xf32>, vector<128x128xf32>, vector<10240x128xf32> -> vector<10240x128xf32>
    %get3A_27 = arith.constant 0 : index
    %get3A_28 = arith.constant 0 : index
    %get3A_29 = vector.load %arg2[%get3A_27, %get3A_28] : memref<10240x128xf32, #tpu.memory_space<vmem>>, vector<10240x128xf32>
    %mul3A_30 = arith.mulf %dot_general3A_26, %get3A_29 : vector<10240x128xf32>
    %swap3A = arith.constant 0 : index
    %swap3A_31 = arith.constant 0 : index
    %swap3A_32 = vector.load %arg5[%swap3A, %swap3A_31] : memref<10240x128xf32, #tpu.memory_space<vmem>>, vector<10240x128xf32>
    tpu.vector_store %arg5[%swap3A, %swap3A_31], %mul3A_30 {strides = array<i32>} : memref<10240x128xf32, #tpu.memory_space<vmem>>, vector<10240x128xf32>,
    return
  }
}

module attributes {stable_mosaic.version = 14 : i64} {
  func.func @_final_body(%arg0: memref<2x10240x128xf32, #tpu.memory_space<vmem>>, %arg1: memref<10240x128xf32, #tpu.memory_space<vmem>>, %arg2: memref<10240x128xf32, #tpu.memory_space<vmem>>, %arg3: memref<1x128xf32, #tpu.memory_space<vmem>>, %arg4: memref<1x10240xi32, #tpu.memory_space<vmem>>, %arg5: memref<128x128xf32, #tpu.memory_space<vmem>>, %arg6: memref<1x128xf32, #tpu.memory_space<vmem>>, %arg7: memref<64x128xf32, #tpu.memory_space<vmem>>) attributes {dimension_semantics = [], scalar_prefetch = 0 : i64, scratch_operands = 0 : i64, tpu.core_type = #tpu.core_type<tc>} {
    %get3A = arith.constant 0 : index
    %get3A_0 = arith.constant 0 : index
    %get3A_1 = arith.constant 0 : index
    %get3A_2 = vector.load %arg0[%get3A, %get3A_0, %get3A_1] : memref<2x10240x128xf32, #tpu.memory_space<vmem>>, vector<1x10240x128xf32>
    %get3A_3 = vector.shape_cast %get3A_2 : vector<1x10240x128xf32> to vector<10240x128xf32>
    %get3A_4 = arith.constant 1 : index
    %get3A_5 = arith.constant 0 : index
    %get3A_6 = arith.constant 0 : index
    %get3A_7 = vector.load %arg0[%get3A_4, %get3A_5, %get3A_6] : memref<2x10240x128xf32, #tpu.memory_space<vmem>>, vector<1x10240x128xf32>
    %get3A_8 = vector.shape_cast %get3A_7 : vector<1x10240x128xf32> to vector<10240x128xf32>
    %add3A = arith.addf %get3A_3, %get3A_8 : vector<10240x128xf32>
    %get3A_9 = arith.constant 0 : index
    %get3A_10 = arith.constant 0 : index
    %get3A_11 = vector.load %arg1[%get3A_9, %get3A_10] : memref<10240x128xf32, #tpu.memory_space<vmem>>, vector<10240x128xf32>
    %add3A_12 = arith.addf %add3A, %get3A_11 : vector<10240x128xf32>
    %get3A_13 = arith.constant 0 : index
    %get3A_14 = arith.constant 0 : index
    %get3A_15 = vector.load %arg2[%get3A_13, %get3A_14] : memref<10240x128xf32, #tpu.memory_space<vmem>>, vector<10240x128xf32>
    %mul3A = arith.mulf %add3A_12, %get3A_15 : vector<10240x128xf32>
    %get3A_16 = arith.constant 0 : index
    %get3A_17 = arith.constant 0 : index
    %get3A_18 = vector.load %arg3[%get3A_16, %get3A_17] : memref<1x128xf32, #tpu.memory_space<vmem>>, vector<1x128xf32>
    %add3A_19 = vector.broadcast %get3A_18 : vector<1x128xf32> to vector<10240x128xf32>
    %add3A_20 = arith.addf %mul3A, %add3A_19 : vector<10240x128xf32>
    %iota3A = tpu.iota {dimensions = array<i32: 0>} : vector<64x1xi32>
    %get3A_21 = arith.constant 0 : index
    %get3A_22 = arith.constant 0 : index
    %get3A_23 = vector.load %arg4[%get3A_21, %get3A_22] : memref<1x10240xi32, #tpu.memory_space<vmem>>, vector<1x10240xi32>
    %eq3A = vector.broadcast %get3A_23 : vector<1x10240xi32> to vector<64x10240xi32>
    %eq3A_24 = vector.broadcast %iota3A : vector<64x1xi32> to vector<64x10240xi32>
    %eq3A_25 = arith.cmpi eq, %eq3A, %eq3A_24 : vector<64x10240xi32>
    %convert_element_type3A = arith.extui %eq3A_25 : vector<64x10240xi1> to vector<64x10240xi32>
    %convert_element_type3A_26 = arith.sitofp %convert_element_type3A : vector<64x10240xi32> to vector<64x10240xf32>
    %dot_general3A = arith.constant dense<0.000000e+00> : vector<64x128xf32>
    %dot_general3A_27 = tpu.matmul %convert_element_type3A_26, %add3A_20, %dot_general3A {dimension_numbers = #tpu.dot_dimension_numbers<[1], [0], [0], [1], [0, 0, 1, 1], [], []>, transpose_lhs_hint = false} : vector<64x10240xf32>, vector<10240x128xf32>, vector<64x128xf32> -> vector<64x128xf32>
    %reduce_sum3A = arith.constant dense<0.000000e+00> : vector<64xf32>
    %reduce_sum3A_28 = vector.multi_reduction <add>, %convert_element_type3A_26, %reduce_sum3A [1] : vector<64x10240xf32> to vector<64xf32>
    %broadcast_in_dim3A = vector.shape_cast %reduce_sum3A_28 : vector<64xf32> to vector<64x1xf32>
    %max3A = arith.constant 1.000000e+00 : f32
    %max3A_29 = vector.broadcast %max3A : f32 to vector<64x1xf32>
    %max3A_30 = arith.maximumf %broadcast_in_dim3A, %max3A_29 : vector<64x1xf32>
    %div3A = vector.broadcast %max3A_30 : vector<64x1xf32> to vector<64x128xf32>
    %div3A_31 = arith.divf %dot_general3A_27, %div3A : vector<64x128xf32>
    %get3A_32 = arith.constant 0 : index
    %get3A_33 = arith.constant 0 : index
    %get3A_34 = vector.load %arg5[%get3A_32, %get3A_33] : memref<128x128xf32, #tpu.memory_space<vmem>>, vector<128x128xf32>
    %dot_general3A_35 = arith.constant dense<0.000000e+00> : vector<64x128xf32>
    %dot_general3A_36 = tpu.matmul %div3A_31, %get3A_34, %dot_general3A_35 {dimension_numbers = #tpu.dot_dimension_numbers<[1], [0], [0], [1], [0, 0, 1, 1], [], []>, transpose_lhs_hint = false} : vector<64x128xf32>, vector<128x128xf32>, vector<64x128xf32> -> vector<64x128xf32>
    %get3A_37 = arith.constant 0 : index
    %get3A_38 = arith.constant 0 : index
    %get3A_39 = vector.load %arg6[%get3A_37, %get3A_38] : memref<1x128xf32, #tpu.memory_space<vmem>>, vector<1x128xf32>
    %add3A_40 = vector.broadcast %get3A_39 : vector<1x128xf32> to vector<64x128xf32>
    %add3A_41 = arith.addf %dot_general3A_36, %add3A_40 : vector<64x128xf32>
    %swap3A = arith.constant 0 : index
    %swap3A_42 = arith.constant 0 : index
    %swap3A_43 = vector.load %arg7[%swap3A, %swap3A_42] : memref<64x128xf32, #tpu.memory_space<vmem>>, vector<64x128xf32>
    tpu.vector_store %arg7[%swap3A, %swap3A_42], %add3A_41 {strides = array<i32>} : memref<64x128xf32, #tpu.memory_space<vmem>>, vector<64x128xf32>,
    return
  }
}

</mosaic_0001>

<sc_bundles>
// kernel: kernel.11.cloned.1.call-start
scs
__scs_entry_jumppad:
0x0: {  	(pc) =	sbr.rel $0x88, $3  }
0x1: {  	(tag) =	ssettag $0x0;
	lr =	simm.s32 $0x1  }
0x2: {  	[smem:$0x3F96] =	sst lr;
	_ =	strace $0xD0000000  }
0x3: {  	_ = 	snop  }
0x4: {  	_ = 	snop  }
0x5: {  	_ = 	snop  }
0x6: {  	_ = 	snop  }
0x7: {  	_ = 	snop  }
__scs_overlays_trampoline_lowered:
0x8: {  	[smem:$0x3FA5] =	sst s0  }
0x9: {  	[smem:$0x3FA6] =	sst s1  }
0xa: {  	[smem:$0x3FA7] =	sst s2  }
0xb: {  	[smem:$0x3FA8] =	sst s3  }
0xc: {  	[smem:$0x3FA9] =	sst s4  }
0xd: {  	[smem:$0x3FAA] =	sst s5  }
0xe: {  	[smem:$0x3FAB] =	sst s6  }
0xf: {  	[smem:$0x3FAC] =	sst s7  }
0x10: {  	[smem:$0x3FAD] =	sst s8  }
0x11: {  	[smem:$0x3FAE] =	sst s9;
	s0 =	simm.s32 @!p0 $0x0  }
0x12: {  	s1 =	sld [smem:$0x3F94];
	s0 =	simm.s32 @p0 $0x1  }
0x13: {  	[smem:$0x3FAF] =	sst s0;
	s0 =	simm.s32 @!p1 $0x0  }
0x14: {  	s2 =	sld [smem:$0x3F93];
	s0 =	simm.s32 @p1 $0x1  }
0x15: {  	[smem:$0x3FB0] =	sst s0;
	s0 =	simm.s32 @!p2 $0x0  }
0x16: {  	s3 =	sld [smem:$0x3FDB];
	s0 =	simm.s32 @p2 $0x1  }
0x17: {  	s4 =	simm.s32 $0x1BF5;
	[smem:$0x3FB2] =	sst s0  }
0x18: {  	s0 =	sld [smem:$0x3F95];
	_ =	swait.ge [sflag:s4], $0x0  }
0x19: {  	s7 =	sld [smem:$0x3F96]  }
0x1a: {  	s8 =	sadd.s32 $0xFFFFE003, lr  }
0x1b: {  	s9 =	sadd.s32 $0xFFFFFEF7, lr;
	s5 =	simm.s32 $0xFFFFFFFF;
	p2 =	slt.u32 s8, $0xFFFFF086  }
0x1c: {  	p1 =	slt.u32 s9, $0xF7A;
	s5 =	simm.s32 @!p2 $0x0  }
0x1d: {  	s5 =	simm.s32 @p1 $0x1;
	p0 =	seq.s32 s7, s2  }
0x1e: {  	s7 =	smul.u32 @!p0 $0xF7A, s2;
	p2 =	seq.s32 @!p0 s5, $0x0  }
0x1f: {  	s9 =	smul.u32 $0xF7A, s1;
	s8 =	simm.s32 @!p0 $0x1BF5;
	p2 =	por !p2, p0  }
0x20: {  	[sflag:s8] =	ssyncset.s32 @!p0 $0xFFFFF086;
	s6 =	sadd.s32 @!p0 s3, s7;
	s7 =	simm.s32 @!p0 $0x108  }
0x21: {  	s3 =	sadd.s32 s3, s9;
	s6 =	sadd.s32 @!p0 $0x88, s6;
	s7 =	simm.s32 @p2 $0x1082  }
0x22: {  	[simem:s7], [sflag:s8] =	dma.local @!p0 [hbm:s6], $0xF7A  }
0x23: {  	s9 =	sor.u32 $0xD0000000, s2;
	s6 =	simm.s32 $0x108;
	_ =	swait.ge @!p0 [sflag:s8], $0x0  }
0x24: {  	s3 =	sadd.s32 $0x88, s3;
	s6 =	simm.s32 @!p1 $0x1082;
	[sflag:s4] =	ssyncset.s32 $0xFFFFF086  }
0x25: {  	[simem:s6], [sflag:s4] =	dma.local [hbm:s3], $0xF7A  }
0x26: {  	[smem:$0x3F96] =	sst s1;
	(tag) =	ssettag s2;
	_ =	strace s9  }
0x27: {  	s1 =	sld [smem:$0x3FA6]  }
0x28: {  	s2 =	sld [smem:$0x3FA7]  }
0x29: {  	s4 =	sld [smem:$0x3FA9]  }
0x2a: {  	p0 =	seq.s32 s5, $0x0;
	s5 =	sld [smem:$0x3FAA]  }
0x2b: {  	s6 =	sld [smem:$0x3FAB]  }
0x2c: {  	s7 =	sld [smem:$0x3FAC]  }
0x2d: {  	s3 =	simm.s32 $0x108;
	s8 =	sld [smem:$0x3FAD]  }
0x2e: {  	s3 =	simm.s32 @!p0 $0x1082;
	s9 =	sld [smem:$0x3FAE]  }
0x2f: {  	lr =	sadd.s32 s0, s3;
	s0 =	sld [smem:$0x3FA5]  }
0x30: {  	s3 =	sld [smem:$0x3FA8]  }
0x31: {  	[smem:$0x3FB1] =	sst s10  }
0x32: {  	s10 =	sld [smem:$0x3FAF];
	_ =	sdelay $0x3  }
0x33: {  	p0 =	seq.s32 s10, $0x1;
	s10 =	sld [smem:$0x3FB1];
	_ =	sdelay $0x3  }
0x34: {  	[smem:$0x3FB1] =	sst s10  }
0x35: {  	s10 =	sld [smem:$0x3FB0];
	_ =	sdelay $0x3  }
0x36: {  	p1 =	seq.s32 s10, $0x1;
	s10 =	sld [smem:$0x3FB1];
	_ =	sdelay $0x3  }
0x37: {  	[smem:$0x3FB1] =	sst s10  }
0x38: {  	s10 =	sld [smem:$0x3FB2]  }
0x39: {  	_ = 	snop;
	(pc) =	sbr.ind lr, $3  }
0x3a: {  	_ = 	snop  }
0x3b: {  	_ = 	snop  }
0x3c: {  	p2 =	seq.s32 s10, $0x1;
	s10 =	sld [smem:$0x3FB1]  }
0x3d: {  	_ =	shalt  }
0x3e: {  	_ =	shalt  }
0x3f: {  	_ =	shalt  }
0x40: {  	_ =	shalt  }
0x41: {  	_ =	shalt  }
0x42: {  	_ =	shalt  }
0x43: {  	_ =	shalt  }
0x44: {  	_ =	shalt  }
0x45: {  	_ =	shalt  }
0x46: {  	_ =	shalt  }
0x47: {  	_ =	shalt  }
0x48: {  	_ =	shalt  }
0x49: {  	_ =	shalt  }
0x4a: {  	_ =	shalt  }
0x4b: {  	_ =	shalt  }
0x4c: {  	_ =	shalt  }
0x4d: {  	_ =	shalt  }
0x4e: {  	_ =	shalt  }
0x4f: {  	_ =	shalt  }
0x50: {  	_ =	shalt  }
0x51: {  	_ =	shalt  }
0x52: {  	_ =	shalt  }
0x53: {  	_ =	shalt  }
0x54: {  	_ =	shalt  }
0x55: {  	_ =	shalt  }
0x56: {  	_ =	shalt  }
0x57: {  	_ =	shalt  }
0x58: {  	_ =	shalt  }
0x59: {  	_ =	shalt  }
0x5a: {  	_ =	shalt  }
0x5b: {  	_ =	shalt  }
0x5c: {  	_ =	shalt  }
0x5d: {  	_ =	shalt  }
0x5e: {  	_ =	shalt  }
0x5f: {  	_ =	shalt  }
0x60: {  	_ =	shalt  }
0x61: {  	_ =	shalt  }
0x62: {  	_ =	shalt  }
0x63: {  	_ =	shalt  }
0x64: {  	_ =	shalt  }
0x65: {  	_ =	shalt  }
0x66: {  	_ =	shalt  }
0x67: {  	_ =	shalt  }
0x68: {  	_ =	shalt  }
0x69: {  	_ =	shalt  }
0x6a: {  	_ =	shalt  }
0x6b: {  	_ =	shalt  }
0x6c: {  	_ =	shalt  }
0x6d: {  	_ =	shalt  }
0x6e: {  	_ =	shalt  }
0x6f: {  	_ =	shalt  }
0x70: {  	_ =	shalt  }
0x71: {  	_ =	shalt  }
0x72: {  	_ =	shalt  }
0x73: {  	_ =	shalt  }
0x74: {  	_ =	shalt  }
0x75: {  	_ =	shalt  }
0x76: {  	_ =	shalt  }
0x77: {  	_ =	shalt  }
0x78: {  	_ =	shalt  }
0x79: {  	_ =	shalt  }
0x7a: {  	_ =	shalt  }
0x7b: {  	_ =	shalt  }
0x7c: {  	_ =	shalt  }
0x7d: {  	_ =	shalt  }
0x7e: {  	_ =	shalt  }
0x7f: {  	_ =	shalt  }
0x80: {  	_ =	shalt  }
0x81: {  	_ =	shalt  }
0x82: {  	_ =	shalt  }
0x83: {  	_ =	shalt  }
0x84: {  	_ =	shalt  }
0x85: {  	_ =	shalt  }
0x86: {  	_ =	shalt  }
0x87: {  	_ =	shalt  }
.Lfunc_end0:
.L_simem_size_0:
called_computation_lowered:
.L_overlay_start_0:
0x88: {  	s2 =	sld [smem:$0x3FD9]  }
0x89: {  	s3 =	sld [smem:$0x3FFE];
	_ =	sdelay $0x1  }
0x8a: {  	s1 =	srdreg.scid  }
0x8b: {  	s0 =	sand.u32 $0x1, s1  }
0x8c: {  	s16 =	sshll.u32 s0, $0xA;
	s2 =	sadd.s32 s3, s2  }
0x8d: {  	s2 =	sadd.s32 s2, s16  }
0x8e: {  	[smem:$0x3FBD] =	sst s2  }
0x8f: {  	_ = 	snop  }
0x90: {  	(tm) =	ssettm $0x1  }
0x91: {  	s17 =	sld [smem:$0x3FFB];
	_ =	sdelay $0x3  }
0x92: {  	_ =	strace s17  }
0x93: {  	s2 =	sld [smem:$0x3FFC];
	_ =	sdelay $0x3  }
0x94: {  	_ =	strace s2  }
0x95: {  	s2 =	sld [smem:$0x3FFD];
	_ =	sdelay $0x3  }
0x96: {  	_ =	strace s2  }
0x97: {  	_ =	strace $0x8FFFFFFF  }
0x98: {  	s18 =	sld [smem:$0x3FDB];
	_ =	sdelay $0x1  }
0x99: {  	s19 =	simm.s32 $_scs_section_size  }
0x9a: {  	s4 =	simm.s32 $_size__tile_overlayer_lowered;
	s5 =	simm.s32 $_tile_overlayer_lowered  }
0x9b: {  	s22 =	simm.s32 $0x1BFF;
	s21 =	sshll.u32 s5, $0x1;
	s2 =	sadd.s32 s19, s18  }
0x9c: {  	s6 =	simm.s32 $0x0;
	s20 =	sshll.u32 s4, $0x1;
	s4 =	sadd.s32 s21, s2  }
0x9d: {  	[timem:s6], [sflag:s22] =	dma.local [hbm:s4], s20  }
0x9e: {  	_ =	swait.ge [sflag:s22], s20  }
0x9f: {  	s3 =	ssub.s32 $0x0, s20;
	[sflag:s22] =	ssyncset.done $0x0  }
0xa0: {  	[sflag:s22] =	ssyncadd.s32 s3;
	_ =	sdelay $0x1  }
0xa1: {  	s23 =	simm.s32 $0x1B8B  }
0xa2: {  	_ =	swait.ge [sflag:s23], $0x1  }
0xa3: {  	[sflag:s23] =	ssyncset.done $0x0  }
0xa4: {  	s25 =	simm.s32 $0x1B8E;
	s24 =	sld [smem:$0x3FFE];
	[sflag:s23] =	ssyncadd.s32 $0xFFFFFFFF  }
0xa5: {  	s26 =	simm.s32 $execute0_lowered;
	[smem:$0x3FD2] =	sst s25  }
0xa6: {  	s4 =	sshll.u32 s26, $0x1;
	_ =	strace $0x80000046;
	[dreg:$0x1] =	wrdreg $0xFFFFFFFF  }
0xa7: {  	s28 =	simm.s32 $_size_execute0_lowered;
	s2 =	sadd.s32 s2, s4;
	[dreg:$0x0] =	wrdreg $0x0  }
0xa8: {  	s4 =	sshll.u32 s28, $0x1;
	[dreg:$0x2] =	wrdreg s2  }
0xa9: {  	[dreg:$0x3] =	wrdreg s4  }
0xaa: {  	[dreg:$0x4] =	wrdreg $0xC0  }
0xab: {  	_ =	task [dreg:s6], $0x5FFFF  }
0xac: {  	[dreg:$0x1] =	wrdreg $0xFFFFFFFF  }
0xad: {  	[dreg:$0x0] =	wrdreg $0x60  }
0xae: {  	[dreg:$0x2] =	wrdreg s24  }
0xaf: {  	[dreg:$0x3] =	wrdreg $0x68000  }
0xb0: {  	[dreg:$0x4] =	wrdreg $0x9  }
0xb1: {  	_ =	task.clear_ibuf [dreg:s6], $0x5FFFF;
	_ =	strace $0x90000046  }
0xb2: {  	s29 =	simm.s32 $0x9;
	_ =	strace $0x80000048  }
0xb3: {  	_ =	swait.ge [sflag:s29], $0x1  }
0xb4: {  	[sflag:s29] =	ssyncadd.s32 $0xFFFFFFFF  }
0xb5: {  	_ =	strace $0x90000048  }
0xb6: {  	_ =	sfence  }
0xb7: {  	s30 =	sld [smem:$0x0];
	_ =	sdelay $0x2  }
0xb8: {  	s31 =	sshll.u32 s1, $0xD;
	s1 =	sshrl.u32 s1, $0x2  }
0xb9: {  	s3 =	sand.u32 $0x4000, s31;
	s1 =	sadd.s32 s1, s30  }
0xba: {  	s0 =	sor.u32 s3, s0;
	s1 =	sshll.u32 s1, $0x11  }
0xbb: {  	s0 =	sor.u32 s1, s0  }
0xbc: {  	s0 =	sadd.s32 $0x8F2B, s0  }
0xbd: {  	[sflag:s0] =	ssyncadd.remote.s32 $0x1  }
0xbe: {  	_ =	sfence.sel $0xFFFF  }
0xbf: {  	[dreg:$0x0] =	wrdreg $0xFFFFFFFF;
	(pc) =	sbr.abs _section_cstart, $3  }
0xc0: {  	[dreg:$0x1] =	wrdreg $0xFFFFFFFF  }
0xc1: {  	_ =	task.clear_ibuf [dreg:s6], $0x2FFFF;
	_ =	strace $0x9FFFFFFF  }
0xc2: {  	(tm) =	ssettm $0x7FFFFFFF  }
0xc3: {  	_ =	shalt  }
tec
execute0_lowered:
.L_overlay_start_1:
0x0: {  	(tag) =	ssettag $0x1  }
0x1: {  	s1 =	srdreg.scid;
	s5 =	rddreg [dreg:$0x0]  }
0x2: {  	s0 =	stileid.u32;
	s2 =	rddreg [dreg:$0x1]  }
0x3: {  	s3 =	simm.s32 $0x0;
	s12 =	simm.s32 $0x2800;
	s13 =	simm.s32 $0x80  }
0x4: {  	s17 =	simm.s32 $0x0;
	s4 =	sand.u32 $0x1, s1;
	s8 =	smul.u32 $0x50000, s0  }
0x5: {  	s28 =	sshll.u32 s0, $0x1;
	[smem:$0x7FF] =	sst s3;
	s15 =	smul.u32 $0x2800, s0  }
0x6: {  	s31 =	sshll.u32 s0, $0x6;
	s1 =	sor.u32 s4, s28;
	s7 =	smul.u32 $0x28000, s4  }
0x7: {  	s4 =	ssub.s32 $0x2, s4;
	s6 =	smul.u32 $0x500, s1;
	s1 =	rddreg [dreg:$0x2]  }
0x8: {  	_ =	strace $0x80000047;
	s29 =	sshrl.u32 s4, $0x1;
	s30 =	sshrl.u32 s8, $0x2  }
0x9: {  	s10 =	sadd.s32 s7, s5;
	s11 =	ssub.s32 s4, s29;
	s6 =	sadd.s32 s6, s5  }
0xa: {  	s5 =	sadd.s32 s30, s2;
	s14 =	sadd.s32 $0xD200, s10;
	s10 =	smax.u32 s11, $0x1  }
0xb: {  	s11 =	simm.s32 $0x1;
	s4 =	sadd.s32 $0x3200, s6;
	s6 =	sadd.s32 $0x4000, s5  }
0xc: {  	s7 =	sadd.s32 $0x8000, s5;
	s8 =	sadd.s32 $0xC000, s5;
	s9 =	sadd.s32 $0x10000, s5  }
0xd: {  	v0 =	vimm.f32 $0.0e+00;
	v1 =	vimm.f32 $1.000000000e+00;
	s14 =	sadd.s32 s15, s14;
	s15 =	sor.u32 $0x1C01, s31;
	s16 =	sshrl.u32 s5, $0x3  }
.LBB2_1:
0xe: {  	[tilespmem:s3], [sflag:$0x1] =	stream.linear.gather [hbm4b:s4+s3], $0x2780, $0x38;
	[tilespmem:$0x9000] =	vst v63  }
0xf: {  	_ =	swait.ge [sflag:s11], $0x2780  }
0x10: {  	[sflag:s11] =	ssyncset.done $0x0  }
0x11: {  	s18 =	simm.s32 $0x200;
	s19 =	simm.s32 $0x0;
	[sflag:s11] =	ssyncadd.s32 $0xFFFFD880  }
.LBB2_2:
0x12: {  	p0 =	sne.s32 s18, $0xFE00;
	[tilespmem:s19+$0x2800] =	vst v0;
	s19 =	smov.u32 s18;
	s18 =	sadd.s32 $0x200, s18  }
.Ltmp0:
0x13: {  	(pc) =	sbr.rel @p0 .LBB2_2-.Ltmp0, $2  }
0x14: {  	_ =	sdelay $0x2  }
0x15: {  	s19 =	sshra.s32 s19, $0x2  }
0x16: {  	[tilespmem:s19+$0x2800] =	vst v0  }
0x17: {  	[spmem:s5] =	stream.linear.scatter [tilespmem:s12], [sflag:$0x1], $0x4000, $0x38;
	[tilespmem:$0x9000] =	vst v63  }
0x18: {  	_ =	swait.ge [sflag:s11], $0x4000  }
0x19: {  	[sflag:s11] =	ssyncset.done $0x0  }
0x1a: {  	[sflag:s11] =	ssyncadd.s32 $0xFFFFC000  }
0x1b: {  	[spmem:s6] =	stream.linear.scatter [tilespmem:s12], [sflag:$0x1], $0x4000, $0x38;
	[tilespmem:$0x9000] =	vst v63  }
0x1c: {  	_ =	swait.ge [sflag:s11], $0x4000  }
0x1d: {  	[sflag:s11] =	ssyncset.done $0x0  }
0x1e: {  	[sflag:s11] =	ssyncadd.s32 $0xFFFFC000  }
0x1f: {  	[spmem:s7] =	stream.linear.scatter [tilespmem:s12], [sflag:$0x1], $0x4000, $0x38;
	[tilespmem:$0x9000] =	vst v63  }
0x20: {  	_ =	swait.ge [sflag:s11], $0x4000  }
0x21: {  	[sflag:s11] =	ssyncset.done $0x0  }
0x22: {  	[sflag:s11] =	ssyncadd.s32 $0xFFFFC000  }
0x23: {  	[spmem:s8] =	stream.linear.scatter [tilespmem:s12], [sflag:$0x1], $0x4000, $0x38;
	[tilespmem:$0x9000] =	vst v63  }
0x24: {  	_ =	swait.ge [sflag:s11], $0x4000  }
0x25: {  	[sflag:s11] =	ssyncset.done $0x0  }
0x26: {  	[sflag:s11] =	ssyncadd.s32 $0xFFFFC000  }
0x27: {  	[spmem:s9] =	stream.linear.scatter [tilespmem:s12], [sflag:$0x1], $0x4000, $0x38;
	[tilespmem:$0x9000] =	vst v63  }
0x28: {  	_ =	swait.ge [sflag:s11], $0x4000  }
0x29: {  	[sflag:s11] =	ssyncset.done $0x0  }
0x2a: {  	s18 =	simm.s32 $0x200;
	s19 =	simm.s32 $0x0;
	[sflag:s11] =	ssyncadd.s32 $0xFFFFC000  }
.LBB2_4:
0x2b: {  	p0 =	sne.s32 s18, $0xFE00;
	[tilespmem:s19+$0x2800] =	vst v1;
	s19 =	smov.u32 s18;
	s18 =	sadd.s32 $0x200, s18  }
.Ltmp1:
0x2c: {  	(pc) =	sbr.rel @p0 .LBB2_4-.Ltmp1, $2  }
0x2d: {  	_ =	sdelay $0x2  }
0x2e: {  	s19 =	sshra.s32 s19, $0x2  }
0x2f: {  	[tilespmem:s19+$0x2800] =	vst v1  }
0x30: {  	s18 =	simm.s32 $0x0;
	[bflag:$0x0] =	sbarrier.arrive $0xFFFF  }
0x31: {  	[spmem:s2] =	stream.indirect.scatter.add.f32 [tilespmem:s12], [sflag:$0x1], $0x10, s18, s13, $0xb8;
	[tilespmem:$0x9000] =	vst v63  }
0x32: {  	_ =	swait.ge [sflag:s11], $0x800  }
0x33: {  	s18 =	simm.s32 $0x200;
	[sflag:s11] =	ssyncset.done $0x0  }
.LBB2_6:
0x34: {  	s19 =	sshra.s32 s18, $0x2;
	[sflag:s11] =	ssyncadd.s32 $0xFFFFF800;
	p0 =	sne.s32 s18, $0x9C00  }
0x35: {  	[spmem:s2] =	stream.indirect.scatter.add.f32 [tilespmem:s12], [sflag:$0x1], $0x10, s19, s13, $0xb8;
	[tilespmem:$0x9000] =	vst v63  }
.Ltmp2:
0x36: {  	_ = 	snop;
	(pc) =	sbr.rel @p0 .LBB2_6-.Ltmp2, $4  }
0x37: {  	_ = 	snop  }
0x38: {  	s18 =	sadd.s32 $0x200, s18  }
0x39: {  	_ =	swait.ge [sflag:s11], $0x800  }
0x3a: {  	[sflag:s11] =	ssyncset.done $0x0  }
0x3b: {  	s17 =	sadd.s32 $0x1, s17  }
0x3c: {  	[sflag:s11] =	ssyncadd.s32 $0xFFFFF800;
	p0 =	sne.s32 s17, s10  }
.Ltmp3:
0x3d: {  	[bflag:$0x0] =	sbarrier.arrive $0xFFFF;
	(pc) =	sbr.rel @p0 .LBB2_1-.Ltmp3, $4  }
0x3e: {  	[hbm:s14], [sflag:s15] =	dma.local [spmem:s16], $0x2800  }
0x3f: {  	_ =	swait.ge [sflag:s11], $0x2800  }
0x40: {  	[sflag:s11] =	ssyncset.done $0x0  }
0x41: {  	[sflag:s11] =	ssyncadd.s32 $0xFFFFD800  }
0x42: {  	_ =	sfence.sel $0x180000  }
0x43: {  	[bflag:$0x0] =	sbarrier.arrive $0xFFFF  }
0x44: {  	p0 =	sne.s32 s0, $0x0;
	_ =	strace $0x90000047  }
0x45: {  	s0 =	sadd.s32 @!p0 $0x100000, s1;
	[bflag:$0x2] =	sbarrier.arrive $0xFFFF  }
0x46: {  	[sflag:s0] =	ssyncadd.tile.s32 @!p0 $0x1;
	_ =	shalt  }
.Lfunc_end2:
_tile_overlayer_lowered:
.L_overlay_start_2:
0x47: {  	(tag) =	ssettag $0x2  }
0x48: {  	s0 =	rddreg [dreg:$0x0];
	s2 =	stileid.u32  }
0x49: {  	s1 =	rddreg [dreg:$0x1];
	p0 =	sne.s32 s2, $0x0  }
0x4a: {  	s3 =	rddreg [dreg:$0x2];
	[bflag:$0x3] =	sbarrier.arrive $0xFFFF;
	s2 =	simm.s32 @!p0 $0x1C01  }
0x4b: {  	[timem:s3], [sflag:s2] =	dma.local @!p0 [hbm:s0], s1  }
0x4c: {  	s0 =	simm.s32 @!p0 $0x1  }
0x4d: {  	_ =	swait.ge @!p0 [sflag:s0], s1  }
0x4e: {  	s1 =	ssub.s32 @!p0 $0x0, s1;
	[sflag:s0] =	ssyncset.done @!p0 $0x0  }
0x4f: {  	[sflag:s0] =	ssyncadd.s32 @!p0 s1  }
0x50: {  	[bflag:$0x3] =	sbarrier.arrive $0xFFFF  }
0x51: {  	_ =	shalt  }

// kernel: kernel.14.cloned.1.call-start
scs
__scs_entry_jumppad:
0x0: {  	(pc) =	sbr.rel $0x88, $3  }
0x1: {  	(tag) =	ssettag $0x0;
	lr =	simm.s32 $0x1  }
0x2: {  	[smem:$0x3F96] =	sst lr;
	_ =	strace $0xD0000000  }
0x3: {  	_ = 	snop  }
0x4: {  	_ = 	snop  }
0x5: {  	_ = 	snop  }
0x6: {  	_ = 	snop  }
0x7: {  	_ = 	snop  }
__scs_overlays_trampoline_lowered:
0x8: {  	[smem:$0x3FA5] =	sst s0  }
0x9: {  	[smem:$0x3FA6] =	sst s1  }
0xa: {  	[smem:$0x3FA7] =	sst s2  }
0xb: {  	[smem:$0x3FA8] =	sst s3  }
0xc: {  	[smem:$0x3FA9] =	sst s4  }
0xd: {  	[smem:$0x3FAA] =	sst s5  }
0xe: {  	[smem:$0x3FAB] =	sst s6  }
0xf: {  	[smem:$0x3FAC] =	sst s7  }
0x10: {  	[smem:$0x3FAD] =	sst s8  }
0x11: {  	[smem:$0x3FAE] =	sst s9;
	s0 =	simm.s32 @!p0 $0x0  }
0x12: {  	s1 =	sld [smem:$0x3F94];
	s0 =	simm.s32 @p0 $0x1  }
0x13: {  	[smem:$0x3FAF] =	sst s0;
	s0 =	simm.s32 @!p1 $0x0  }
0x14: {  	s2 =	sld [smem:$0x3F93];
	s0 =	simm.s32 @p1 $0x1  }
0x15: {  	[smem:$0x3FB0] =	sst s0;
	s0 =	simm.s32 @!p2 $0x0  }
0x16: {  	s3 =	sld [smem:$0x3FDB];
	s0 =	simm.s32 @p2 $0x1  }
0x17: {  	s4 =	simm.s32 $0x1BF5;
	[smem:$0x3FB2] =	sst s0  }
0x18: {  	s0 =	sld [smem:$0x3F95];
	_ =	swait.ge [sflag:s4], $0x0  }
0x19: {  	s7 =	sld [smem:$0x3F96]  }
0x1a: {  	s8 =	sadd.s32 $0xFFFFE003, lr  }
0x1b: {  	s9 =	sadd.s32 $0xFFFFFEF7, lr;
	s5 =	simm.s32 $0xFFFFFFFF;
	p2 =	slt.u32 s8, $0xFFFFF086  }
0x1c: {  	p1 =	slt.u32 s9, $0xF7A;
	s5 =	simm.s32 @!p2 $0x0  }
0x1d: {  	s5 =	simm.s32 @p1 $0x1;
	p0 =	seq.s32 s7, s2  }
0x1e: {  	s7 =	smul.u32 @!p0 $0xF7A, s2;
	p2 =	seq.s32 @!p0 s5, $0x0  }
0x1f: {  	s9 =	smul.u32 $0xF7A, s1;
	s8 =	simm.s32 @!p0 $0x1BF5;
	p2 =	por !p2, p0  }
0x20: {  	[sflag:s8] =	ssyncset.s32 @!p0 $0xFFFFF086;
	s6 =	sadd.s32 @!p0 s3, s7;
	s7 =	simm.s32 @!p0 $0x108  }
0x21: {  	s3 =	sadd.s32 s3, s9;
	s6 =	sadd.s32 @!p0 $0x88, s6;
	s7 =	simm.s32 @p2 $0x1082  }
0x22: {  	[simem:s7], [sflag:s8] =	dma.local @!p0 [hbm:s6], $0xF7A  }
0x23: {  	s9 =	sor.u32 $0xD0000000, s2;
	s6 =	simm.s32 $0x108;
	_ =	swait.ge @!p0 [sflag:s8], $0x0  }
0x24: {  	s3 =	sadd.s32 $0x88, s3;
	s6 =	simm.s32 @!p1 $0x1082;
	[sflag:s4] =	ssyncset.s32 $0xFFFFF086  }
0x25: {  	[simem:s6], [sflag:s4] =	dma.local [hbm:s3], $0xF7A  }
0x26: {  	[smem:$0x3F96] =	sst s1;
	(tag) =	ssettag s2;
	_ =	strace s9  }
0x27: {  	s1 =	sld [smem:$0x3FA6]  }
0x28: {  	s2 =	sld [smem:$0x3FA7]  }
0x29: {  	s4 =	sld [smem:$0x3FA9]  }
0x2a: {  	p0 =	seq.s32 s5, $0x0;
	s5 =	sld [smem:$0x3FAA]  }
0x2b: {  	s6 =	sld [smem:$0x3FAB]  }
0x2c: {  	s7 =	sld [smem:$0x3FAC]  }
0x2d: {  	s3 =	simm.s32 $0x108;
	s8 =	sld [smem:$0x3FAD]  }
0x2e: {  	s3 =	simm.s32 @!p0 $0x1082;
	s9 =	sld [smem:$0x3FAE]  }
0x2f: {  	lr =	sadd.s32 s0, s3;
	s0 =	sld [smem:$0x3FA5]  }
0x30: {  	s3 =	sld [smem:$0x3FA8]  }
0x31: {  	[smem:$0x3FB1] =	sst s10  }
0x32: {  	s10 =	sld [smem:$0x3FAF];
	_ =	sdelay $0x3  }
0x33: {  	p0 =	seq.s32 s10, $0x1;
	s10 =	sld [smem:$0x3FB1];
	_ =	sdelay $0x3  }
0x34: {  	[smem:$0x3FB1] =	sst s10  }
0x35: {  	s10 =	sld [smem:$0x3FB0];
	_ =	sdelay $0x3  }
0x36: {  	p1 =	seq.s32 s10, $0x1;
	s10 =	sld [smem:$0x3FB1];
	_ =	sdelay $0x3  }
0x37: {  	[smem:$0x3FB1] =	sst s10  }
0x38: {  	s10 =	sld [smem:$0x3FB2]  }
0x39: {  	_ = 	snop;
	(pc) =	sbr.ind lr, $3  }
0x3a: {  	_ = 	snop  }
0x3b: {  	_ = 	snop  }
0x3c: {  	p2 =	seq.s32 s10, $0x1;
	s10 =	sld [smem:$0x3FB1]  }
0x3d: {  	_ =	shalt  }
0x3e: {  	_ =	shalt  }
0x3f: {  	_ =	shalt  }
0x40: {  	_ =	shalt  }
0x41: {  	_ =	shalt  }
0x42: {  	_ =	shalt  }
0x43: {  	_ =	shalt  }
0x44: {  	_ =	shalt  }
0x45: {  	_ =	shalt  }
0x46: {  	_ =	shalt  }
0x47: {  	_ =	shalt  }
0x48: {  	_ =	shalt  }
0x49: {  	_ =	shalt  }
0x4a: {  	_ =	shalt  }
0x4b: {  	_ =	shalt  }
0x4c: {  	_ =	shalt  }
0x4d: {  	_ =	shalt  }
0x4e: {  	_ =	shalt  }
0x4f: {  	_ =	shalt  }
0x50: {  	_ =	shalt  }
0x51: {  	_ =	shalt  }
0x52: {  	_ =	shalt  }
0x53: {  	_ =	shalt  }
0x54: {  	_ =	shalt  }
0x55: {  	_ =	shalt  }
0x56: {  	_ =	shalt  }
0x57: {  	_ =	shalt  }
0x58: {  	_ =	shalt  }
0x59: {  	_ =	shalt  }
0x5a: {  	_ =	shalt  }
0x5b: {  	_ =	shalt  }
0x5c: {  	_ =	shalt  }
0x5d: {  	_ =	shalt  }
0x5e: {  	_ =	shalt  }
0x5f: {  	_ =	shalt  }
0x60: {  	_ =	shalt  }
0x61: {  	_ =	shalt  }
0x62: {  	_ =	shalt  }
0x63: {  	_ =	shalt  }
0x64: {  	_ =	shalt  }
0x65: {  	_ =	shalt  }
0x66: {  	_ =	shalt  }
0x67: {  	_ =	shalt  }
0x68: {  	_ =	shalt  }
0x69: {  	_ =	shalt  }
0x6a: {  	_ =	shalt  }
0x6b: {  	_ =	shalt  }
0x6c: {  	_ =	shalt  }
0x6d: {  	_ =	shalt  }
0x6e: {  	_ =	shalt  }
0x6f: {  	_ =	shalt  }
0x70: {  	_ =	shalt  }
0x71: {  	_ =	shalt  }
0x72: {  	_ =	shalt  }
0x73: {  	_ =	shalt  }
0x74: {  	_ =	shalt  }
0x75: {  	_ =	shalt  }
0x76: {  	_ =	shalt  }
0x77: {  	_ =	shalt  }
0x78: {  	_ =	shalt  }
0x79: {  	_ =	shalt  }
0x7a: {  	_ =	shalt  }
0x7b: {  	_ =	shalt  }
0x7c: {  	_ =	shalt  }
0x7d: {  	_ =	shalt  }
0x7e: {  	_ =	shalt  }
0x7f: {  	_ =	shalt  }
0x80: {  	_ =	shalt  }
0x81: {  	_ =	shalt  }
0x82: {  	_ =	shalt  }
0x83: {  	_ =	shalt  }
0x84: {  	_ =	shalt  }
0x85: {  	_ =	shalt  }
0x86: {  	_ =	shalt  }
0x87: {  	_ =	shalt  }
.Lfunc_end0:
.L_simem_size_0:
called_computation.1_lowered:
.L_overlay_start_0:
0x88: {  	s2 =	sld [smem:$0x3FD9]  }
0x89: {  	s3 =	sld [smem:$0x3FFE];
	_ =	sdelay $0x1  }
0x8a: {  	s1 =	srdreg.scid  }
0x8b: {  	s0 =	sand.u32 $0x1, s1  }
0x8c: {  	s16 =	sshll.u32 s0, $0xA;
	s2 =	sadd.s32 s3, s2  }
0x8d: {  	s2 =	sadd.s32 s2, s16  }
0x8e: {  	[smem:$0x3FBD] =	sst s2  }
0x8f: {  	_ = 	snop  }
0x90: {  	(tm) =	ssettm $0x1  }
0x91: {  	s17 =	sld [smem:$0x3FFB];
	_ =	sdelay $0x3  }
0x92: {  	_ =	strace s17  }
0x93: {  	s2 =	sld [smem:$0x3FFC];
	_ =	sdelay $0x3  }
0x94: {  	_ =	strace s2  }
0x95: {  	s2 =	sld [smem:$0x3FFD];
	_ =	sdelay $0x3  }
0x96: {  	_ =	strace s2  }
0x97: {  	_ =	strace $0x8FFFFFFF  }
0x98: {  	s18 =	sld [smem:$0x3FDB];
	_ =	sdelay $0x1  }
0x99: {  	s19 =	simm.s32 $_scs_section_size  }
0x9a: {  	s4 =	simm.s32 $_size__tile_overlayer_lowered;
	s5 =	simm.s32 $_tile_overlayer_lowered  }
0x9b: {  	s22 =	simm.s32 $0x1BFF;
	s21 =	sshll.u32 s5, $0x1;
	s2 =	sadd.s32 s19, s18  }
0x9c: {  	s6 =	simm.s32 $0x0;
	s20 =	sshll.u32 s4, $0x1;
	s4 =	sadd.s32 s21, s2  }
0x9d: {  	[timem:s6], [sflag:s22] =	dma.local [hbm:s4], s20  }
0x9e: {  	_ =	swait.ge [sflag:s22], s20  }
0x9f: {  	s3 =	ssub.s32 $0x0, s20;
	[sflag:s22] =	ssyncset.done $0x0  }
0xa0: {  	[sflag:s22] =	ssyncadd.s32 s3;
	_ =	sdelay $0x1  }
0xa1: {  	s23 =	simm.s32 $0x1B8B  }
0xa2: {  	_ =	swait.ge [sflag:s23], $0x1  }
0xa3: {  	[sflag:s23] =	ssyncset.done $0x0  }
0xa4: {  	s25 =	simm.s32 $0x1B8E;
	s24 =	sld [smem:$0x3FFE];
	[sflag:s23] =	ssyncadd.s32 $0xFFFFFFFF  }
0xa5: {  	s26 =	simm.s32 $execute0_lowered;
	[smem:$0x3FD2] =	sst s25  }
0xa6: {  	s4 =	sshll.u32 s26, $0x1;
	_ =	strace $0x80000049;
	[dreg:$0x1] =	wrdreg $0xFFFFFFFF  }
0xa7: {  	s28 =	simm.s32 $_size_execute0_lowered;
	s2 =	sadd.s32 s2, s4;
	[dreg:$0x0] =	wrdreg $0x0  }
0xa8: {  	s4 =	sshll.u32 s28, $0x1;
	[dreg:$0x2] =	wrdreg s2  }
0xa9: {  	[dreg:$0x3] =	wrdreg s4  }
0xaa: {  	[dreg:$0x4] =	wrdreg $0xC0  }
0xab: {  	_ =	task [dreg:s6], $0x5FFFF  }
0xac: {  	[dreg:$0x1] =	wrdreg $0xFFFFFFFF  }
0xad: {  	[dreg:$0x0] =	wrdreg $0x60  }
0xae: {  	[dreg:$0x2] =	wrdreg s24  }
0xaf: {  	[dreg:$0x3] =	wrdreg $0x90000  }
0xb0: {  	[dreg:$0x4] =	wrdreg $0x9  }
0xb1: {  	_ =	task.clear_ibuf [dreg:s6], $0x5FFFF;
	_ =	strace $0x90000049  }
0xb2: {  	s29 =	simm.s32 $0x9;
	_ =	strace $0x8000004B  }
0xb3: {  	_ =	swait.ge [sflag:s29], $0x1  }
0xb4: {  	[sflag:s29] =	ssyncadd.s32 $0xFFFFFFFF  }
0xb5: {  	_ =	strace $0x9000004B  }
0xb6: {  	_ =	sfence  }
0xb7: {  	s30 =	sld [smem:$0x0];
	_ =	sdelay $0x2  }
0xb8: {  	s31 =	sshll.u32 s1, $0xD;
	s1 =	sshrl.u32 s1, $0x2  }
0xb9: {  	s3 =	sand.u32 $0x4000, s31;
	s1 =	sadd.s32 s1, s30  }
0xba: {  	s0 =	sor.u32 s3, s0;
	s1 =	sshll.u32 s1, $0x11  }
0xbb: {  	s0 =	sor.u32 s1, s0  }
0xbc: {  	s0 =	sadd.s32 $0x8F2B, s0  }
0xbd: {  	[sflag:s0] =	ssyncadd.remote.s32 $0x1  }
0xbe: {  	_ =	sfence.sel $0xFFFF  }
0xbf: {  	[dreg:$0x0] =	wrdreg $0xFFFFFFFF;
	(pc) =	sbr.abs _section_cstart, $3  }
0xc0: {  	[dreg:$0x1] =	wrdreg $0xFFFFFFFF  }
0xc1: {  	_ =	task.clear_ibuf [dreg:s6], $0x2FFFF;
	_ =	strace $0x9FFFFFFF  }
0xc2: {  	(tm) =	ssettm $0x7FFFFFFF  }
0xc3: {  	_ =	shalt  }
tec
execute0_lowered:
.L_overlay_start_1:
0x0: {  	(tag) =	ssettag $0x1  }
0x1: {  	s1 =	srdreg.scid;
	s5 =	rddreg [dreg:$0x0]  }
0x2: {  	s0 =	stileid.u32;
	s2 =	rddreg [dreg:$0x1];
	s3 =	simm.s32 $0x0  }
0x3: {  	s14 =	simm.s32 $0x2800;
	s15 =	simm.s32 $0x5000;
	s16 =	simm.s32 $0x80  }
0x4: {  	s17 =	simm.s32 $0x1;
	s21 =	simm.s32 $0x0;
	s6 =	sand.u32 $0x1, s1  }
0x5: {  	s28 =	sshll.u32 s0, $0x1;
	s1 =	rddreg [dreg:$0x2];
	s8 =	smul.u32 $0x50000, s0  }
0x6: {  	[smem:$0x7FF] =	sst s3;
	s19 =	smul.u32 $0x2800, s0;
	s31 =	sshll.u32 s0, $0x6  }
0x7: {  	s4 =	sor.u32 s6, s28;
	s7 =	smul.u32 $0x28000, s6;
	s6 =	ssub.s32 $0x2, s6  }
0x8: {  	_ =	strace $0x8000004A;
	s4 =	smul.u32 $0x500, s4;
	s29 =	sshrl.u32 s6, $0x1  }
0x9: {  	s30 =	sshrl.u32 s8, $0x2;
	s12 =	sadd.s32 s7, s5;
	s13 =	ssub.s32 s6, s29  }
0xa: {  	s6 =	sadd.s32 s30, s2;
	s9 =	sadd.s32 s4, s5;
	s4 =	sadd.s32 $0xD200, s5  }
0xb: {  	s8 =	sadd.s32 $0x4000, s6;
	s10 =	sadd.s32 $0xC000, s6;
	s11 =	sadd.s32 $0x10000, s6  }
0xc: {  	s18 =	sadd.s32 $0x67200, s12;
	s12 =	smax.u32 s13, $0x1;
	s13 =	simm.s32 $0x2  }
0xd: {  	s20 =	sshrl.u32 s6, $0x3;
	s5 =	sadd.s32 $0x5D200, s9;
	s7 =	sadd.s32 $0x3200, s9  }
0xe: {  	v0 =	vimm.f32 $0.0e+00;
	s9 =	sadd.s32 $0x8000, s6;
	s18 =	sadd.s32 s19, s18;
	s19 =	sor.u32 $0x1C02, s31  }
.LBB2_1:
0xf: {  	[tilespmem:s3], [sflag:$0x2] =	stream.linear.gather [hbm4b:s5+s3], $0x2780, $0x38;
	[tilespmem:$0x1D000] =	vst v63  }
0x10: {  	_ =	swait.ge [sflag:s13], $0x2780  }
0x11: {  	[sflag:s13] =	ssyncset.done $0x0  }
0x12: {  	[sflag:s13] =	ssyncadd.s32 $0xFFFFD880  }
0x13: {  	[tilespmem:s14], [sflag:$0x2] =	stream.linear.gather [hbm4b:s7+s3], $0x2780, $0x38;
	[tilespmem:$0x1D000] =	vst v63  }
0x14: {  	s22 =	sand.u32 $0xFE00, s3;
	s23 =	sand.u32 $0x70, s3;
	_ =	swait.ge [sflag:s13], $0x2780  }
0x15: {  	s24 =	sshrl.u32 s22, $0x2;
	s22 =	simm.s32 $0x40;
	[sflag:s13] =	ssyncset.done $0x0  }
0x16: {  	s24 =	sor.u32 s23, s24;
	s23 =	simm.s32 $0x0;
	[sflag:s13] =	ssyncadd.s32 $0xFFFFD880  }
.LBB2_2:
0x17: {  	p0 =	sne.s32 s22, $0xFFC0  }
0x18: {  	[tilespmem:s24+$0x5000] =	vst v0;
	s23 =	sadd.s32 $0x10, s23;
	s24 =	smov.u32 s22;
	s22 =	sadd.s32 $0x40, s22  }
.Ltmp0:
0x19: {  	(pc) =	sbr.rel @p0 .LBB2_2-.Ltmp0, $4  }
0x1a: {  	_ = 	snop  }
0x1b: {  	s24 =	sand.u32 $0xFE00, s24  }
0x1c: {  	s25 =	sand.u32 $0x70, s23;
	s24 =	sshrl.u32 s24, $0x2  }
0x1d: {  	s24 =	sor.u32 s25, s24  }
0x1e: {  	[tilespmem:s24+$0x5000] =	vst v0  }
0x1f: {  	[spmem:s6] =	stream.linear.scatter [tilespmem:s15], [sflag:$0x2], $0x4000, $0x38;
	[tilespmem:$0x1D000] =	vst v63  }
0x20: {  	_ =	swait.ge [sflag:s13], $0x4000  }
0x21: {  	[sflag:s13] =	ssyncset.done $0x0  }
0x22: {  	[sflag:s13] =	ssyncadd.s32 $0xFFFFC000  }
0x23: {  	[spmem:s8] =	stream.linear.scatter [tilespmem:s15], [sflag:$0x2], $0x4000, $0x38;
	[tilespmem:$0x1D000] =	vst v63  }
0x24: {  	_ =	swait.ge [sflag:s13], $0x4000  }
0x25: {  	[sflag:s13] =	ssyncset.done $0x0  }
0x26: {  	[sflag:s13] =	ssyncadd.s32 $0xFFFFC000  }
0x27: {  	[spmem:s9] =	stream.linear.scatter [tilespmem:s15], [sflag:$0x2], $0x4000, $0x38;
	[tilespmem:$0x1D000] =	vst v63  }
0x28: {  	_ =	swait.ge [sflag:s13], $0x4000  }
0x29: {  	[sflag:s13] =	ssyncset.done $0x0  }
0x2a: {  	[sflag:s13] =	ssyncadd.s32 $0xFFFFC000  }
0x2b: {  	[spmem:s10] =	stream.linear.scatter [tilespmem:s15], [sflag:$0x2], $0x4000, $0x38;
	[tilespmem:$0x1D000] =	vst v63  }
0x2c: {  	_ =	swait.ge [sflag:s13], $0x4000  }
0x2d: {  	[sflag:s13] =	ssyncset.done $0x0  }
0x2e: {  	[sflag:s13] =	ssyncadd.s32 $0xFFFFC000  }
0x2f: {  	[spmem:s11] =	stream.linear.scatter [tilespmem:s15], [sflag:$0x2], $0x4000, $0x38;
	[tilespmem:$0x1D000] =	vst v63  }
0x30: {  	_ =	swait.ge [sflag:s13], $0x4000  }
0x31: {  	[sflag:s13] =	ssyncset.done $0x0  }
0x32: {  	[sflag:s13] =	ssyncadd.s32 $0xFFFFC000  }
0x33: {  	s22 =	simm.s32 $0x0;
	[bflag:$0x0] =	sbarrier.arrive $0xFFFF  }
0x34: {  	[tilespmem:s15], [sflag:$0x1] =	stream.indirect.gather [hbm4b:s4+s16], $0x80, s22, s16, $0xb8;
	[tilespmem:$0x1D000] =	vst v63  }
0x35: {  	_ =	swait.ge [sflag:s17], $0x4000  }
0x36: {  	[sflag:s17] =	ssyncset.done $0x0  }
0x37: {  	s31 =	simm.s32 $0x2800;
	[sflag:s17] =	ssyncadd.s32 $0xFFFFC000  }
0x38: {  	[spmem:s2] =	stream.indirect.scatter.add.f32 [tilespmem:s15], [sflag:$0x2], $0x80, s31, s16, $0xb8;
	[tilespmem:$0x1D000] =	vst v63  }
0x39: {  	_ =	swait.ge [sflag:s13], $0x4000  }
0x3a: {  	s23 =	simm.s32 $0x400;
	s22 =	simm.s32 $0x200;
	[sflag:s13] =	ssyncset.done $0x0  }
.LBB2_4:
0x3b: {  	s24 =	sshra.s32 s22, $0x2  }
0x3c: {  	[sflag:s13] =	ssyncadd.s32 $0xFFFFC000;
	s22 =	smov.u32 s23;
	s25 =	sadd.s32 $0x200, s23  }
0x3d: {  	[tilespmem:s15], [sflag:$0x1] =	stream.indirect.gather [hbm4b:s4+s16], $0x80, s24, s16, $0xb8;
	[tilespmem:$0x1D000] =	vst v63  }
0x3e: {  	p0 =	sne.s32 s23, $0x9C00;
	_ =	swait.ge [sflag:s17], $0x4000  }
.Ltmp1:
0x3f: {  	[sflag:s17] =	ssyncset.done $0x0;
	(pc) =	sbr.rel @p0 .LBB2_4-.Ltmp1, $4  }
0x40: {  	s23 =	sadd.s32 $0x2800, s24;
	[sflag:s17] =	ssyncadd.s32 $0xFFFFC000  }
0x41: {  	[spmem:s2] =	stream.indirect.scatter.add.f32 [tilespmem:s15], [sflag:$0x2], $0x80, s23, s16, $0xb8;
	[tilespmem:$0x1D000] =	vst v63  }
0x42: {  	_ =	swait.ge [sflag:s13], $0x4000  }
0x43: {  	s23 =	smov.u32 s25;
	[sflag:s13] =	ssyncset.done $0x0  }
0x44: {  	s22 =	sshra.s32 s22, $0x2;
	[sflag:s13] =	ssyncadd.s32 $0xFFFFC000  }
0x45: {  	[tilespmem:s15], [sflag:$0x1] =	stream.indirect.gather [hbm4b:s4+s16], $0x80, s22, s16, $0xb8;
	[tilespmem:$0x1D000] =	vst v63  }
0x46: {  	_ =	swait.ge [sflag:s17], $0x4000  }
0x47: {  	[sflag:s17] =	ssyncset.done $0x0  }
0x48: {  	s22 =	sadd.s32 $0x2800, s22;
	[sflag:s17] =	ssyncadd.s32 $0xFFFFC000  }
0x49: {  	[spmem:s2] =	stream.indirect.scatter.add.f32 [tilespmem:s15], [sflag:$0x2], $0x80, s22, s16, $0xb8;
	[tilespmem:$0x1D000] =	vst v63  }
0x4a: {  	_ =	swait.ge [sflag:s13], $0x4000  }
0x4b: {  	s21 =	sadd.s32 $0x1, s21;
	[sflag:s13] =	ssyncset.done $0x0  }
0x4c: {  	p0 =	sne.s32 s21, s12;
	[sflag:s13] =	ssyncadd.s32 $0xFFFFC000  }
.Ltmp2:
0x4d: {  	[bflag:$0x0] =	sbarrier.arrive $0xFFFF;
	(pc) =	sbr.rel @p0 .LBB2_1-.Ltmp2, $4  }
0x4e: {  	[hbm:s18], [sflag:s19] =	dma.local [spmem:s20], $0x2800  }
0x4f: {  	_ =	swait.ge [sflag:s13], $0x2800  }
0x50: {  	[sflag:s13] =	ssyncset.done $0x0  }
0x51: {  	[sflag:s13] =	ssyncadd.s32 $0xFFFFD800  }
0x52: {  	_ =	sfence.sel $0x180000  }
0x53: {  	[bflag:$0x0] =	sbarrier.arrive $0xFFFF  }
0x54: {  	p0 =	sne.s32 s0, $0x0;
	_ =	strace $0x9000004A  }
0x55: {  	s0 =	sadd.s32 @!p0 $0x100000, s1;
	[bflag:$0x2] =	sbarrier.arrive $0xFFFF  }
0x56: {  	[sflag:s0] =	ssyncadd.tile.s32 @!p0 $0x1;
	_ =	shalt  }
.Lfunc_end2:
_tile_overlayer_lowered:
.L_overlay_start_2:
0x57: {  	(tag) =	ssettag $0x2  }
0x58: {  	s0 =	rddreg [dreg:$0x0];
	s2 =	stileid.u32  }
0x59: {  	s1 =	rddreg [dreg:$0x1];
	p0 =	sne.s32 s2, $0x0  }
0x5a: {  	s3 =	rddreg [dreg:$0x2];
	[bflag:$0x3] =	sbarrier.arrive $0xFFFF;
	s2 =	simm.s32 @!p0 $0x1C02  }
0x5b: {  	[timem:s3], [sflag:s2] =	dma.local @!p0 [hbm:s0], s1  }
0x5c: {  	s0 =	simm.s32 @!p0 $0x2  }
0x5d: {  	_ =	swait.ge @!p0 [sflag:s0], s1  }
0x5e: {  	s1 =	ssub.s32 @!p0 $0x0, s1;
	[sflag:s0] =	ssyncset.done @!p0 $0x0  }
0x5f: {  	[sflag:s0] =	ssyncadd.s32 @!p0 s1  }
0x60: {  	[bflag:$0x3] =	sbarrier.arrive $0xFFFF  }
0x61: {  	_ =	shalt  }

// kernel: kernel.17.cloned.1.call-start
scs
__scs_entry_jumppad:
0x0: {  	(pc) =	sbr.rel $0x88, $3  }
0x1: {  	(tag) =	ssettag $0x0;
	lr =	simm.s32 $0x1  }
0x2: {  	[smem:$0x3F96] =	sst lr;
	_ =	strace $0xD0000000  }
0x3: {  	_ = 	snop  }
0x4: {  	_ = 	snop  }
0x5: {  	_ = 	snop  }
0x6: {  	_ = 	snop  }
0x7: {  	_ = 	snop  }
__scs_overlays_trampoline_lowered:
0x8: {  	[smem:$0x3FA5] =	sst s0  }
0x9: {  	[smem:$0x3FA6] =	sst s1  }
0xa: {  	[smem:$0x3FA7] =	sst s2  }
0xb: {  	[smem:$0x3FA8] =	sst s3  }
0xc: {  	[smem:$0x3FA9] =	sst s4  }
0xd: {  	[smem:$0x3FAA] =	sst s5  }
0xe: {  	[smem:$0x3FAB] =	sst s6  }
0xf: {  	[smem:$0x3FAC] =	sst s7  }
0x10: {  	[smem:$0x3FAD] =	sst s8  }
0x11: {  	[smem:$0x3FAE] =	sst s9;
	s0 =	simm.s32 @!p0 $0x0  }
0x12: {  	s1 =	sld [smem:$0x3F94];
	s0 =	simm.s32 @p0 $0x1  }
0x13: {  	[smem:$0x3FAF] =	sst s0;
	s0 =	simm.s32 @!p1 $0x0  }
0x14: {  	s2 =	sld [smem:$0x3F93];
	s0 =	simm.s32 @p1 $0x1  }
0x15: {  	[smem:$0x3FB0] =	sst s0;
	s0 =	simm.s32 @!p2 $0x0  }
0x16: {  	s3 =	sld [smem:$0x3FDB];
	s0 =	simm.s32 @p2 $0x1  }
0x17: {  	s4 =	simm.s32 $0x1BF5;
	[smem:$0x3FB2] =	sst s0  }
0x18: {  	s0 =	sld [smem:$0x3F95];
	_ =	swait.ge [sflag:s4], $0x0  }
0x19: {  	s7 =	sld [smem:$0x3F96]  }
0x1a: {  	s8 =	sadd.s32 $0xFFFFE003, lr  }
0x1b: {  	s9 =	sadd.s32 $0xFFFFFEF7, lr;
	s5 =	simm.s32 $0xFFFFFFFF;
	p2 =	slt.u32 s8, $0xFFFFF086  }
0x1c: {  	p1 =	slt.u32 s9, $0xF7A;
	s5 =	simm.s32 @!p2 $0x0  }
0x1d: {  	s5 =	simm.s32 @p1 $0x1;
	p0 =	seq.s32 s7, s2  }
0x1e: {  	s7 =	smul.u32 @!p0 $0xF7A, s2;
	p2 =	seq.s32 @!p0 s5, $0x0  }
0x1f: {  	s9 =	smul.u32 $0xF7A, s1;
	s8 =	simm.s32 @!p0 $0x1BF5;
	p2 =	por !p2, p0  }
0x20: {  	[sflag:s8] =	ssyncset.s32 @!p0 $0xFFFFF086;
	s6 =	sadd.s32 @!p0 s3, s7;
	s7 =	simm.s32 @!p0 $0x108  }
0x21: {  	s3 =	sadd.s32 s3, s9;
	s6 =	sadd.s32 @!p0 $0x88, s6;
	s7 =	simm.s32 @p2 $0x1082  }
0x22: {  	[simem:s7], [sflag:s8] =	dma.local @!p0 [hbm:s6], $0xF7A  }
0x23: {  	s9 =	sor.u32 $0xD0000000, s2;
	s6 =	simm.s32 $0x108;
	_ =	swait.ge @!p0 [sflag:s8], $0x0  }
0x24: {  	s3 =	sadd.s32 $0x88, s3;
	s6 =	simm.s32 @!p1 $0x1082;
	[sflag:s4] =	ssyncset.s32 $0xFFFFF086  }
0x25: {  	[simem:s6], [sflag:s4] =	dma.local [hbm:s3], $0xF7A  }
0x26: {  	[smem:$0x3F96] =	sst s1;
	(tag) =	ssettag s2;
	_ =	strace s9  }
0x27: {  	s1 =	sld [smem:$0x3FA6]  }
0x28: {  	s2 =	sld [smem:$0x3FA7]  }
0x29: {  	s4 =	sld [smem:$0x3FA9]  }
0x2a: {  	p0 =	seq.s32 s5, $0x0;
	s5 =	sld [smem:$0x3FAA]  }
0x2b: {  	s6 =	sld [smem:$0x3FAB]  }
0x2c: {  	s7 =	sld [smem:$0x3FAC]  }
0x2d: {  	s3 =	simm.s32 $0x108;
	s8 =	sld [smem:$0x3FAD]  }
0x2e: {  	s3 =	simm.s32 @!p0 $0x1082;
	s9 =	sld [smem:$0x3FAE]  }
0x2f: {  	lr =	sadd.s32 s0, s3;
	s0 =	sld [smem:$0x3FA5]  }
0x30: {  	s3 =	sld [smem:$0x3FA8]  }
0x31: {  	[smem:$0x3FB1] =	sst s10  }
0x32: {  	s10 =	sld [smem:$0x3FAF];
	_ =	sdelay $0x3  }
0x33: {  	p0 =	seq.s32 s10, $0x1;
	s10 =	sld [smem:$0x3FB1];
	_ =	sdelay $0x3  }
0x34: {  	[smem:$0x3FB1] =	sst s10  }
0x35: {  	s10 =	sld [smem:$0x3FB0];
	_ =	sdelay $0x3  }
0x36: {  	p1 =	seq.s32 s10, $0x1;
	s10 =	sld [smem:$0x3FB1];
	_ =	sdelay $0x3  }
0x37: {  	[smem:$0x3FB1] =	sst s10  }
0x38: {  	s10 =	sld [smem:$0x3FB2]  }
0x39: {  	_ = 	snop;
	(pc) =	sbr.ind lr, $3  }
0x3a: {  	_ = 	snop  }
0x3b: {  	_ = 	snop  }
0x3c: {  	p2 =	seq.s32 s10, $0x1;
	s10 =	sld [smem:$0x3FB1]  }
0x3d: {  	_ =	shalt  }
0x3e: {  	_ =	shalt  }
0x3f: {  	_ =	shalt  }
0x40: {  	_ =	shalt  }
0x41: {  	_ =	shalt  }
0x42: {  	_ =	shalt  }
0x43: {  	_ =	shalt  }
0x44: {  	_ =	shalt  }
0x45: {  	_ =	shalt  }
0x46: {  	_ =	shalt  }
0x47: {  	_ =	shalt  }
0x48: {  	_ =	shalt  }
0x49: {  	_ =	shalt  }
0x4a: {  	_ =	shalt  }
0x4b: {  	_ =	shalt  }
0x4c: {  	_ =	shalt  }
0x4d: {  	_ =	shalt  }
0x4e: {  	_ =	shalt  }
0x4f: {  	_ =	shalt  }
0x50: {  	_ =	shalt  }
0x51: {  	_ =	shalt  }
0x52: {  	_ =	shalt  }
0x53: {  	_ =	shalt  }
0x54: {  	_ =	shalt  }
0x55: {  	_ =	shalt  }
0x56: {  	_ =	shalt  }
0x57: {  	_ =	shalt  }
0x58: {  	_ =	shalt  }
0x59: {  	_ =	shalt  }
0x5a: {  	_ =	shalt  }
0x5b: {  	_ =	shalt  }
0x5c: {  	_ =	shalt  }
0x5d: {  	_ =	shalt  }
0x5e: {  	_ =	shalt  }
0x5f: {  	_ =	shalt  }
0x60: {  	_ =	shalt  }
0x61: {  	_ =	shalt  }
0x62: {  	_ =	shalt  }
0x63: {  	_ =	shalt  }
0x64: {  	_ =	shalt  }
0x65: {  	_ =	shalt  }
0x66: {  	_ =	shalt  }
0x67: {  	_ =	shalt  }
0x68: {  	_ =	shalt  }
0x69: {  	_ =	shalt  }
0x6a: {  	_ =	shalt  }
0x6b: {  	_ =	shalt  }
0x6c: {  	_ =	shalt  }
0x6d: {  	_ =	shalt  }
0x6e: {  	_ =	shalt  }
0x6f: {  	_ =	shalt  }
0x70: {  	_ =	shalt  }
0x71: {  	_ =	shalt  }
0x72: {  	_ =	shalt  }
0x73: {  	_ =	shalt  }
0x74: {  	_ =	shalt  }
0x75: {  	_ =	shalt  }
0x76: {  	_ =	shalt  }
0x77: {  	_ =	shalt  }
0x78: {  	_ =	shalt  }
0x79: {  	_ =	shalt  }
0x7a: {  	_ =	shalt  }
0x7b: {  	_ =	shalt  }
0x7c: {  	_ =	shalt  }
0x7d: {  	_ =	shalt  }
0x7e: {  	_ =	shalt  }
0x7f: {  	_ =	shalt  }
0x80: {  	_ =	shalt  }
0x81: {  	_ =	shalt  }
0x82: {  	_ =	shalt  }
0x83: {  	_ =	shalt  }
0x84: {  	_ =	shalt  }
0x85: {  	_ =	shalt  }
0x86: {  	_ =	shalt  }
0x87: {  	_ =	shalt  }
.Lfunc_end0:
.L_simem_size_0:
called_computation.2_lowered:
.L_overlay_start_0:
0x88: {  	s2 =	sld [smem:$0x3FD9]  }
0x89: {  	s3 =	sld [smem:$0x3FFE];
	_ =	sdelay $0x1  }
0x8a: {  	s1 =	srdreg.scid  }
0x8b: {  	s0 =	sand.u32 $0x1, s1  }
0x8c: {  	s16 =	sshll.u32 s0, $0xA;
	s2 =	sadd.s32 s3, s2  }
0x8d: {  	s2 =	sadd.s32 s2, s16  }
0x8e: {  	[smem:$0x3FBD] =	sst s2  }
0x8f: {  	_ = 	snop  }
0x90: {  	(tm) =	ssettm $0x1  }
0x91: {  	s17 =	sld [smem:$0x3FFB];
	_ =	sdelay $0x3  }
0x92: {  	_ =	strace s17  }
0x93: {  	s2 =	sld [smem:$0x3FFC];
	_ =	sdelay $0x3  }
0x94: {  	_ =	strace s2  }
0x95: {  	s2 =	sld [smem:$0x3FFD];
	_ =	sdelay $0x3  }
0x96: {  	_ =	strace s2  }
0x97: {  	_ =	strace $0x8FFFFFFF  }
0x98: {  	s18 =	sld [smem:$0x3FDB];
	_ =	sdelay $0x1  }
0x99: {  	s19 =	simm.s32 $_scs_section_size  }
0x9a: {  	s4 =	simm.s32 $_size__tile_overlayer_lowered;
	s5 =	simm.s32 $_tile_overlayer_lowered  }
0x9b: {  	s22 =	simm.s32 $0x1BFF;
	s21 =	sshll.u32 s5, $0x1;
	s2 =	sadd.s32 s19, s18  }
0x9c: {  	s6 =	simm.s32 $0x0;
	s20 =	sshll.u32 s4, $0x1;
	s4 =	sadd.s32 s21, s2  }
0x9d: {  	[timem:s6], [sflag:s22] =	dma.local [hbm:s4], s20  }
0x9e: {  	_ =	swait.ge [sflag:s22], s20  }
0x9f: {  	s3 =	ssub.s32 $0x0, s20;
	[sflag:s22] =	ssyncset.done $0x0  }
0xa0: {  	[sflag:s22] =	ssyncadd.s32 s3;
	_ =	sdelay $0x1  }
0xa1: {  	s23 =	simm.s32 $0x1B8B  }
0xa2: {  	_ =	swait.ge [sflag:s23], $0x1  }
0xa3: {  	[sflag:s23] =	ssyncset.done $0x0  }
0xa4: {  	s25 =	simm.s32 $0x1B8E;
	s24 =	sld [smem:$0x3FFE];
	[sflag:s23] =	ssyncadd.s32 $0xFFFFFFFF  }
0xa5: {  	s26 =	simm.s32 $execute0_lowered;
	[smem:$0x3FD2] =	sst s25  }
0xa6: {  	s4 =	sshll.u32 s26, $0x1;
	_ =	strace $0x8000004C;
	[dreg:$0x1] =	wrdreg $0xFFFFFFFF  }
0xa7: {  	s28 =	simm.s32 $_size_execute0_lowered;
	s2 =	sadd.s32 s2, s4;
	[dreg:$0x0] =	wrdreg $0x0  }
0xa8: {  	s4 =	sshll.u32 s28, $0x1;
	[dreg:$0x2] =	wrdreg s2  }
0xa9: {  	[dreg:$0x3] =	wrdreg s4  }
0xaa: {  	[dreg:$0x4] =	wrdreg $0xC0  }
0xab: {  	_ =	task [dreg:s6], $0x5FFFF  }
0xac: {  	[dreg:$0x1] =	wrdreg $0xFFFFFFFF  }
0xad: {  	[dreg:$0x0] =	wrdreg $0x60  }
0xae: {  	[dreg:$0x2] =	wrdreg s24  }
0xaf: {  	[dreg:$0x3] =	wrdreg $0x90000  }
0xb0: {  	[dreg:$0x4] =	wrdreg $0x9  }
0xb1: {  	_ =	task.clear_ibuf [dreg:s6], $0x5FFFF;
	_ =	strace $0x9000004C  }
0xb2: {  	s29 =	simm.s32 $0x9;
	_ =	strace $0x8000004E  }
0xb3: {  	_ =	swait.ge [sflag:s29], $0x1  }
0xb4: {  	[sflag:s29] =	ssyncadd.s32 $0xFFFFFFFF  }
0xb5: {  	_ =	strace $0x9000004E  }
0xb6: {  	_ =	sfence  }
0xb7: {  	s30 =	sld [smem:$0x0];
	_ =	sdelay $0x2  }
0xb8: {  	s31 =	sshll.u32 s1, $0xD;
	s1 =	sshrl.u32 s1, $0x2  }
0xb9: {  	s3 =	sand.u32 $0x4000, s31;
	s1 =	sadd.s32 s1, s30  }
0xba: {  	s0 =	sor.u32 s3, s0;
	s1 =	sshll.u32 s1, $0x11  }
0xbb: {  	s0 =	sor.u32 s1, s0  }
0xbc: {  	s0 =	sadd.s32 $0x8F2B, s0  }
0xbd: {  	[sflag:s0] =	ssyncadd.remote.s32 $0x1  }
0xbe: {  	_ =	sfence.sel $0xFFFF  }
0xbf: {  	[dreg:$0x0] =	wrdreg $0xFFFFFFFF;
	(pc) =	sbr.abs _section_cstart, $3  }
0xc0: {  	[dreg:$0x1] =	wrdreg $0xFFFFFFFF  }
0xc1: {  	_ =	task.clear_ibuf [dreg:s6], $0x2FFFF;
	_ =	strace $0x9FFFFFFF  }
0xc2: {  	(tm) =	ssettm $0x7FFFFFFF  }
0xc3: {  	_ =	shalt  }
tec
execute0_lowered:
.L_overlay_start_1:
0x0: {  	(tag) =	ssettag $0x1  }
0x1: {  	s1 =	srdreg.scid;
	s5 =	rddreg [dreg:$0x0]  }
0x2: {  	s0 =	stileid.u32;
	s2 =	rddreg [dreg:$0x1];
	s3 =	simm.s32 $0x0  }
0x3: {  	s14 =	simm.s32 $0x2800;
	s15 =	simm.s32 $0x5000;
	s16 =	simm.s32 $0x80  }
0x4: {  	s17 =	simm.s32 $0x1;
	s21 =	simm.s32 $0x0;
	s6 =	sand.u32 $0x1, s1  }
0x5: {  	s28 =	sshll.u32 s0, $0x1;
	s1 =	rddreg [dreg:$0x2];
	s8 =	smul.u32 $0x50000, s0  }
0x6: {  	[smem:$0x7FF] =	sst s3;
	s19 =	smul.u32 $0x2800, s0;
	s31 =	sshll.u32 s0, $0x6  }
0x7: {  	s4 =	sor.u32 s6, s28;
	s7 =	smul.u32 $0x28000, s6;
	s6 =	ssub.s32 $0x2, s6  }
0x8: {  	_ =	strace $0x8000004D;
	s4 =	smul.u32 $0x500, s4;
	s29 =	sshrl.u32 s6, $0x1  }
0x9: {  	s30 =	sshrl.u32 s8, $0x2;
	s12 =	sadd.s32 s7, s5;
	s13 =	ssub.s32 s6, s29  }
0xa: {  	s6 =	sadd.s32 s30, s2;
	s9 =	sadd.s32 s4, s5;
	s4 =	sadd.s32 $0xD200, s5  }
0xb: {  	s8 =	sadd.s32 $0x4000, s6;
	s10 =	sadd.s32 $0xC000, s6;
	s11 =	sadd.s32 $0x10000, s6  }
0xc: {  	s18 =	sadd.s32 $0x67200, s12;
	s12 =	smax.u32 s13, $0x1;
	s13 =	simm.s32 $0x2  }
0xd: {  	s20 =	sshrl.u32 s6, $0x3;
	s5 =	sadd.s32 $0x5D200, s9;
	s7 =	sadd.s32 $0x3200, s9  }
0xe: {  	v0 =	vimm.f32 $0.0e+00;
	s9 =	sadd.s32 $0x8000, s6;
	s18 =	sadd.s32 s19, s18;
	s19 =	sor.u32 $0x1C02, s31  }
.LBB2_1:
0xf: {  	[tilespmem:s3], [sflag:$0x2] =	stream.linear.gather [hbm4b:s5+s3], $0x2780, $0x38;
	[tilespmem:$0x1D000] =	vst v63  }
0x10: {  	_ =	swait.ge [sflag:s13], $0x2780  }
0x11: {  	[sflag:s13] =	ssyncset.done $0x0  }
0x12: {  	[sflag:s13] =	ssyncadd.s32 $0xFFFFD880  }
0x13: {  	[tilespmem:s14], [sflag:$0x2] =	stream.linear.gather [hbm4b:s7+s3], $0x2780, $0x38;
	[tilespmem:$0x1D000] =	vst v63  }
0x14: {  	s22 =	sand.u32 $0xFE00, s3;
	s23 =	sand.u32 $0x70, s3;
	_ =	swait.ge [sflag:s13], $0x2780  }
0x15: {  	s24 =	sshrl.u32 s22, $0x2;
	s22 =	simm.s32 $0x40;
	[sflag:s13] =	ssyncset.done $0x0  }
0x16: {  	s24 =	sor.u32 s23, s24;
	s23 =	simm.s32 $0x0;
	[sflag:s13] =	ssyncadd.s32 $0xFFFFD880  }
.LBB2_2:
0x17: {  	p0 =	sne.s32 s22, $0xFFC0  }
0x18: {  	[tilespmem:s24+$0x5000] =	vst v0;
	s23 =	sadd.s32 $0x10, s23;
	s24 =	smov.u32 s22;
	s22 =	sadd.s32 $0x40, s22  }
.Ltmp0:
0x19: {  	(pc) =	sbr.rel @p0 .LBB2_2-.Ltmp0, $4  }
0x1a: {  	_ = 	snop  }
0x1b: {  	s24 =	sand.u32 $0xFE00, s24  }
0x1c: {  	s25 =	sand.u32 $0x70, s23;
	s24 =	sshrl.u32 s24, $0x2  }
0x1d: {  	s24 =	sor.u32 s25, s24  }
0x1e: {  	[tilespmem:s24+$0x5000] =	vst v0  }
0x1f: {  	[spmem:s6] =	stream.linear.scatter [tilespmem:s15], [sflag:$0x2], $0x4000, $0x38;
	[tilespmem:$0x1D000] =	vst v63  }
0x20: {  	_ =	swait.ge [sflag:s13], $0x4000  }
0x21: {  	[sflag:s13] =	ssyncset.done $0x0  }
0x22: {  	[sflag:s13] =	ssyncadd.s32 $0xFFFFC000  }
0x23: {  	[spmem:s8] =	stream.linear.scatter [tilespmem:s15], [sflag:$0x2], $0x4000, $0x38;
	[tilespmem:$0x1D000] =	vst v63  }
0x24: {  	_ =	swait.ge [sflag:s13], $0x4000  }
0x25: {  	[sflag:s13] =	ssyncset.done $0x0  }
0x26: {  	[sflag:s13] =	ssyncadd.s32 $0xFFFFC000  }
0x27: {  	[spmem:s9] =	stream.linear.scatter [tilespmem:s15], [sflag:$0x2], $0x4000, $0x38;
	[tilespmem:$0x1D000] =	vst v63  }
0x28: {  	_ =	swait.ge [sflag:s13], $0x4000  }
0x29: {  	[sflag:s13] =	ssyncset.done $0x0  }
0x2a: {  	[sflag:s13] =	ssyncadd.s32 $0xFFFFC000  }
0x2b: {  	[spmem:s10] =	stream.linear.scatter [tilespmem:s15], [sflag:$0x2], $0x4000, $0x38;
	[tilespmem:$0x1D000] =	vst v63  }
0x2c: {  	_ =	swait.ge [sflag:s13], $0x4000  }
0x2d: {  	[sflag:s13] =	ssyncset.done $0x0  }
0x2e: {  	[sflag:s13] =	ssyncadd.s32 $0xFFFFC000  }
0x2f: {  	[spmem:s11] =	stream.linear.scatter [tilespmem:s15], [sflag:$0x2], $0x4000, $0x38;
	[tilespmem:$0x1D000] =	vst v63  }
0x30: {  	_ =	swait.ge [sflag:s13], $0x4000  }
0x31: {  	[sflag:s13] =	ssyncset.done $0x0  }
0x32: {  	[sflag:s13] =	ssyncadd.s32 $0xFFFFC000  }
0x33: {  	s22 =	simm.s32 $0x0;
	[bflag:$0x0] =	sbarrier.arrive $0xFFFF  }
0x34: {  	[tilespmem:s15], [sflag:$0x1] =	stream.indirect.gather [hbm4b:s4+s16], $0x80, s22, s16, $0xb8;
	[tilespmem:$0x1D000] =	vst v63  }
0x35: {  	_ =	swait.ge [sflag:s17], $0x4000  }
0x36: {  	[sflag:s17] =	ssyncset.done $0x0  }
0x37: {  	s31 =	simm.s32 $0x2800;
	[sflag:s17] =	ssyncadd.s32 $0xFFFFC000  }
0x38: {  	[spmem:s2] =	stream.indirect.scatter.add.f32 [tilespmem:s15], [sflag:$0x2], $0x80, s31, s16, $0xb8;
	[tilespmem:$0x1D000] =	vst v63  }
0x39: {  	_ =	swait.ge [sflag:s13], $0x4000  }
0x3a: {  	s23 =	simm.s32 $0x400;
	s22 =	simm.s32 $0x200;
	[sflag:s13] =	ssyncset.done $0x0  }
.LBB2_4:
0x3b: {  	s24 =	sshra.s32 s22, $0x2  }
0x3c: {  	[sflag:s13] =	ssyncadd.s32 $0xFFFFC000;
	s22 =	smov.u32 s23;
	s25 =	sadd.s32 $0x200, s23  }
0x3d: {  	[tilespmem:s15], [sflag:$0x1] =	stream.indirect.gather [hbm4b:s4+s16], $0x80, s24, s16, $0xb8;
	[tilespmem:$0x1D000] =	vst v63  }
0x3e: {  	p0 =	sne.s32 s23, $0x9C00;
	_ =	swait.ge [sflag:s17], $0x4000  }
.Ltmp1:
0x3f: {  	[sflag:s17] =	ssyncset.done $0x0;
	(pc) =	sbr.rel @p0 .LBB2_4-.Ltmp1, $4  }
0x40: {  	s23 =	sadd.s32 $0x2800, s24;
	[sflag:s17] =	ssyncadd.s32 $0xFFFFC000  }
0x41: {  	[spmem:s2] =	stream.indirect.scatter.add.f32 [tilespmem:s15], [sflag:$0x2], $0x80, s23, s16, $0xb8;
	[tilespmem:$0x1D000] =	vst v63  }
0x42: {  	_ =	swait.ge [sflag:s13], $0x4000  }
0x43: {  	s23 =	smov.u32 s25;
	[sflag:s13] =	ssyncset.done $0x0  }
0x44: {  	s22 =	sshra.s32 s22, $0x2;
	[sflag:s13] =	ssyncadd.s32 $0xFFFFC000  }
0x45: {  	[tilespmem:s15], [sflag:$0x1] =	stream.indirect.gather [hbm4b:s4+s16], $0x80, s22, s16, $0xb8;
	[tilespmem:$0x1D000] =	vst v63  }
0x46: {  	_ =	swait.ge [sflag:s17], $0x4000  }
0x47: {  	[sflag:s17] =	ssyncset.done $0x0  }
0x48: {  	s22 =	sadd.s32 $0x2800, s22;
	[sflag:s17] =	ssyncadd.s32 $0xFFFFC000  }
0x49: {  	[spmem:s2] =	stream.indirect.scatter.add.f32 [tilespmem:s15], [sflag:$0x2], $0x80, s22, s16, $0xb8;
	[tilespmem:$0x1D000] =	vst v63  }
0x4a: {  	_ =	swait.ge [sflag:s13], $0x4000  }
0x4b: {  	s21 =	sadd.s32 $0x1, s21;
	[sflag:s13] =	ssyncset.done $0x0  }
0x4c: {  	p0 =	sne.s32 s21, s12;
	[sflag:s13] =	ssyncadd.s32 $0xFFFFC000  }
.Ltmp2:
0x4d: {  	[bflag:$0x0] =	sbarrier.arrive $0xFFFF;
	(pc) =	sbr.rel @p0 .LBB2_1-.Ltmp2, $4  }
0x4e: {  	[hbm:s18], [sflag:s19] =	dma.local [spmem:s20], $0x2800  }
0x4f: {  	_ =	swait.ge [sflag:s13], $0x2800  }
0x50: {  	[sflag:s13] =	ssyncset.done $0x0  }
0x51: {  	[sflag:s13] =	ssyncadd.s32 $0xFFFFD800  }
0x52: {  	_ =	sfence.sel $0x180000  }
0x53: {  	[bflag:$0x0] =	sbarrier.arrive $0xFFFF  }
0x54: {  	p0 =	sne.s32 s0, $0x0;
	_ =	strace $0x9000004D  }
0x55: {  	s0 =	sadd.s32 @!p0 $0x100000, s1;
	[bflag:$0x2] =	sbarrier.arrive $0xFFFF  }
0x56: {  	[sflag:s0] =	ssyncadd.tile.s32 @!p0 $0x1;
	_ =	shalt  }
.Lfunc_end2:
_tile_overlayer_lowered:
.L_overlay_start_2:
0x57: {  	(tag) =	ssettag $0x2  }
0x58: {  	s0 =	rddreg [dreg:$0x0];
	s2 =	stileid.u32  }
0x59: {  	s1 =	rddreg [dreg:$0x1];
	p0 =	sne.s32 s2, $0x0  }
0x5a: {  	s3 =	rddreg [dreg:$0x2];
	[bflag:$0x3] =	sbarrier.arrive $0xFFFF;
	s2 =	simm.s32 @!p0 $0x1C02  }
0x5b: {  	[timem:s3], [sflag:s2] =	dma.local @!p0 [hbm:s0], s1  }
0x5c: {  	s0 =	simm.s32 @!p0 $0x2  }
0x5d: {  	_ =	swait.ge @!p0 [sflag:s0], s1  }
0x5e: {  	s1 =	ssub.s32 @!p0 $0x0, s1;
	[sflag:s0] =	ssyncset.done @!p0 $0x0  }
0x5f: {  	[sflag:s0] =	ssyncadd.s32 @!p0 s1  }
0x60: {  	[bflag:$0x3] =	sbarrier.arrive $0xFFFF  }
0x61: {  	_ =	shalt  }

// kernel: kernel.20.cloned.1.call-start
scs
__scs_entry_jumppad:
0x0: {  	(pc) =	sbr.rel $0x88, $3  }
0x1: {  	(tag) =	ssettag $0x0;
	lr =	simm.s32 $0x1  }
0x2: {  	[smem:$0x3F96] =	sst lr;
	_ =	strace $0xD0000000  }
0x3: {  	_ = 	snop  }
0x4: {  	_ = 	snop  }
0x5: {  	_ = 	snop  }
0x6: {  	_ = 	snop  }
0x7: {  	_ = 	snop  }
__scs_overlays_trampoline_lowered:
0x8: {  	[smem:$0x3FA5] =	sst s0  }
0x9: {  	[smem:$0x3FA6] =	sst s1  }
0xa: {  	[smem:$0x3FA7] =	sst s2  }
0xb: {  	[smem:$0x3FA8] =	sst s3  }
0xc: {  	[smem:$0x3FA9] =	sst s4  }
0xd: {  	[smem:$0x3FAA] =	sst s5  }
0xe: {  	[smem:$0x3FAB] =	sst s6  }
0xf: {  	[smem:$0x3FAC] =	sst s7  }
0x10: {  	[smem:$0x3FAD] =	sst s8  }
0x11: {  	[smem:$0x3FAE] =	sst s9;
	s0 =	simm.s32 @!p0 $0x0  }
0x12: {  	s1 =	sld [smem:$0x3F94];
	s0 =	simm.s32 @p0 $0x1  }
0x13: {  	[smem:$0x3FAF] =	sst s0;
	s0 =	simm.s32 @!p1 $0x0  }
0x14: {  	s2 =	sld [smem:$0x3F93];
	s0 =	simm.s32 @p1 $0x1  }
0x15: {  	[smem:$0x3FB0] =	sst s0;
	s0 =	simm.s32 @!p2 $0x0  }
0x16: {  	s3 =	sld [smem:$0x3FDB];
	s0 =	simm.s32 @p2 $0x1  }
0x17: {  	s4 =	simm.s32 $0x1BF5;
	[smem:$0x3FB2] =	sst s0  }
0x18: {  	s0 =	sld [smem:$0x3F95];
	_ =	swait.ge [sflag:s4], $0x0  }
0x19: {  	s7 =	sld [smem:$0x3F96]  }
0x1a: {  	s8 =	sadd.s32 $0xFFFFE003, lr  }
0x1b: {  	s9 =	sadd.s32 $0xFFFFFEF7, lr;
	s5 =	simm.s32 $0xFFFFFFFF;
	p2 =	slt.u32 s8, $0xFFFFF086  }
0x1c: {  	p1 =	slt.u32 s9, $0xF7A;
	s5 =	simm.s32 @!p2 $0x0  }
0x1d: {  	s5 =	simm.s32 @p1 $0x1;
	p0 =	seq.s32 s7, s2  }
0x1e: {  	s7 =	smul.u32 @!p0 $0xF7A, s2;
	p2 =	seq.s32 @!p0 s5, $0x0  }
0x1f: {  	s9 =	smul.u32 $0xF7A, s1;
	s8 =	simm.s32 @!p0 $0x1BF5;
	p2 =	por !p2, p0  }
0x20: {  	[sflag:s8] =	ssyncset.s32 @!p0 $0xFFFFF086;
	s6 =	sadd.s32 @!p0 s3, s7;
	s7 =	simm.s32 @!p0 $0x108  }
0x21: {  	s3 =	sadd.s32 s3, s9;
	s6 =	sadd.s32 @!p0 $0x88, s6;
	s7 =	simm.s32 @p2 $0x1082  }
0x22: {  	[simem:s7], [sflag:s8] =	dma.local @!p0 [hbm:s6], $0xF7A  }
0x23: {  	s9 =	sor.u32 $0xD0000000, s2;
	s6 =	simm.s32 $0x108;
	_ =	swait.ge @!p0 [sflag:s8], $0x0  }
0x24: {  	s3 =	sadd.s32 $0x88, s3;
	s6 =	simm.s32 @!p1 $0x1082;
	[sflag:s4] =	ssyncset.s32 $0xFFFFF086  }
0x25: {  	[simem:s6], [sflag:s4] =	dma.local [hbm:s3], $0xF7A  }
0x26: {  	[smem:$0x3F96] =	sst s1;
	(tag) =	ssettag s2;
	_ =	strace s9  }
0x27: {  	s1 =	sld [smem:$0x3FA6]  }
0x28: {  	s2 =	sld [smem:$0x3FA7]  }
0x29: {  	s4 =	sld [smem:$0x3FA9]  }
0x2a: {  	p0 =	seq.s32 s5, $0x0;
	s5 =	sld [smem:$0x3FAA]  }
0x2b: {  	s6 =	sld [smem:$0x3FAB]  }
0x2c: {  	s7 =	sld [smem:$0x3FAC]  }
0x2d: {  	s3 =	simm.s32 $0x108;
	s8 =	sld [smem:$0x3FAD]  }
0x2e: {  	s3 =	simm.s32 @!p0 $0x1082;
	s9 =	sld [smem:$0x3FAE]  }
0x2f: {  	lr =	sadd.s32 s0, s3;
	s0 =	sld [smem:$0x3FA5]  }
0x30: {  	s3 =	sld [smem:$0x3FA8]  }
0x31: {  	[smem:$0x3FB1] =	sst s10  }
0x32: {  	s10 =	sld [smem:$0x3FAF];
	_ =	sdelay $0x3  }
0x33: {  	p0 =	seq.s32 s10, $0x1;
	s10 =	sld [smem:$0x3FB1];
	_ =	sdelay $0x3  }
0x34: {  	[smem:$0x3FB1] =	sst s10  }
0x35: {  	s10 =	sld [smem:$0x3FB0];
	_ =	sdelay $0x3  }
0x36: {  	p1 =	seq.s32 s10, $0x1;
	s10 =	sld [smem:$0x3FB1];
	_ =	sdelay $0x3  }
0x37: {  	[smem:$0x3FB1] =	sst s10  }
0x38: {  	s10 =	sld [smem:$0x3FB2]  }
0x39: {  	_ = 	snop;
	(pc) =	sbr.ind lr, $3  }
0x3a: {  	_ = 	snop  }
0x3b: {  	_ = 	snop  }
0x3c: {  	p2 =	seq.s32 s10, $0x1;
	s10 =	sld [smem:$0x3FB1]  }
0x3d: {  	_ =	shalt  }
0x3e: {  	_ =	shalt  }
0x3f: {  	_ =	shalt  }
0x40: {  	_ =	shalt  }
0x41: {  	_ =	shalt  }
0x42: {  	_ =	shalt  }
0x43: {  	_ =	shalt  }
0x44: {  	_ =	shalt  }
0x45: {  	_ =	shalt  }
0x46: {  	_ =	shalt  }
0x47: {  	_ =	shalt  }
0x48: {  	_ =	shalt  }
0x49: {  	_ =	shalt  }
0x4a: {  	_ =	shalt  }
0x4b: {  	_ =	shalt  }
0x4c: {  	_ =	shalt  }
0x4d: {  	_ =	shalt  }
0x4e: {  	_ =	shalt  }
0x4f: {  	_ =	shalt  }
0x50: {  	_ =	shalt  }
0x51: {  	_ =	shalt  }
0x52: {  	_ =	shalt  }
0x53: {  	_ =	shalt  }
0x54: {  	_ =	shalt  }
0x55: {  	_ =	shalt  }
0x56: {  	_ =	shalt  }
0x57: {  	_ =	shalt  }
0x58: {  	_ =	shalt  }
0x59: {  	_ =	shalt  }
0x5a: {  	_ =	shalt  }
0x5b: {  	_ =	shalt  }
0x5c: {  	_ =	shalt  }
0x5d: {  	_ =	shalt  }
0x5e: {  	_ =	shalt  }
0x5f: {  	_ =	shalt  }
0x60: {  	_ =	shalt  }
0x61: {  	_ =	shalt  }
0x62: {  	_ =	shalt  }
0x63: {  	_ =	shalt  }
0x64: {  	_ =	shalt  }
0x65: {  	_ =	shalt  }
0x66: {  	_ =	shalt  }
0x67: {  	_ =	shalt  }
0x68: {  	_ =	shalt  }
0x69: {  	_ =	shalt  }
0x6a: {  	_ =	shalt  }
0x6b: {  	_ =	shalt  }
0x6c: {  	_ =	shalt  }
0x6d: {  	_ =	shalt  }
0x6e: {  	_ =	shalt  }
0x6f: {  	_ =	shalt  }
0x70: {  	_ =	shalt  }
0x71: {  	_ =	shalt  }
0x72: {  	_ =	shalt  }
0x73: {  	_ =	shalt  }
0x74: {  	_ =	shalt  }
0x75: {  	_ =	shalt  }
0x76: {  	_ =	shalt  }
0x77: {  	_ =	shalt  }
0x78: {  	_ =	shalt  }
0x79: {  	_ =	shalt  }
0x7a: {  	_ =	shalt  }
0x7b: {  	_ =	shalt  }
0x7c: {  	_ =	shalt  }
0x7d: {  	_ =	shalt  }
0x7e: {  	_ =	shalt  }
0x7f: {  	_ =	shalt  }
0x80: {  	_ =	shalt  }
0x81: {  	_ =	shalt  }
0x82: {  	_ =	shalt  }
0x83: {  	_ =	shalt  }
0x84: {  	_ =	shalt  }
0x85: {  	_ =	shalt  }
0x86: {  	_ =	shalt  }
0x87: {  	_ =	shalt  }
.Lfunc_end0:
.L_simem_size_0:
called_computation.3_lowered:
.L_overlay_start_0:
0x88: {  	s2 =	sld [smem:$0x3FD9]  }
0x89: {  	s3 =	sld [smem:$0x3FFE];
	_ =	sdelay $0x1  }
0x8a: {  	s1 =	srdreg.scid  }
0x8b: {  	s0 =	sand.u32 $0x1, s1  }
0x8c: {  	s16 =	sshll.u32 s0, $0xA;
	s2 =	sadd.s32 s3, s2  }
0x8d: {  	s2 =	sadd.s32 s2, s16  }
0x8e: {  	[smem:$0x3FBD] =	sst s2  }
0x8f: {  	_ = 	snop  }
0x90: {  	(tm) =	ssettm $0x1  }
0x91: {  	s17 =	sld [smem:$0x3FFB];
	_ =	sdelay $0x3  }
0x92: {  	_ =	strace s17  }
0x93: {  	s2 =	sld [smem:$0x3FFC];
	_ =	sdelay $0x3  }
0x94: {  	_ =	strace s2  }
0x95: {  	s2 =	sld [smem:$0x3FFD];
	_ =	sdelay $0x3  }
0x96: {  	_ =	strace s2  }
0x97: {  	_ =	strace $0x8FFFFFFF  }
0x98: {  	s18 =	sld [smem:$0x3FDB];
	_ =	sdelay $0x1  }
0x99: {  	s19 =	simm.s32 $_scs_section_size  }
0x9a: {  	s4 =	simm.s32 $_size__tile_overlayer_lowered;
	s5 =	simm.s32 $_tile_overlayer_lowered  }
0x9b: {  	s22 =	simm.s32 $0x1BFF;
	s21 =	sshll.u32 s5, $0x1;
	s2 =	sadd.s32 s19, s18  }
0x9c: {  	s6 =	simm.s32 $0x0;
	s20 =	sshll.u32 s4, $0x1;
	s4 =	sadd.s32 s21, s2  }
0x9d: {  	[timem:s6], [sflag:s22] =	dma.local [hbm:s4], s20  }
0x9e: {  	_ =	swait.ge [sflag:s22], s20  }
0x9f: {  	s3 =	ssub.s32 $0x0, s20;
	[sflag:s22] =	ssyncset.done $0x0  }
0xa0: {  	[sflag:s22] =	ssyncadd.s32 s3;
	_ =	sdelay $0x1  }
0xa1: {  	s23 =	simm.s32 $0x1B8B  }
0xa2: {  	_ =	swait.ge [sflag:s23], $0x1  }
0xa3: {  	[sflag:s23] =	ssyncset.done $0x0  }
0xa4: {  	s25 =	simm.s32 $0x1B8E;
	s24 =	sld [smem:$0x3FFE];
	[sflag:s23] =	ssyncadd.s32 $0xFFFFFFFF  }
0xa5: {  	s26 =	simm.s32 $execute0_lowered;
	[smem:$0x3FD2] =	sst s25  }
0xa6: {  	s4 =	sshll.u32 s26, $0x1;
	_ =	strace $0x8000004F;
	[dreg:$0x1] =	wrdreg $0xFFFFFFFF  }
0xa7: {  	s28 =	simm.s32 $_size_execute0_lowered;
	s2 =	sadd.s32 s2, s4;
	[dreg:$0x0] =	wrdreg $0x0  }
0xa8: {  	s4 =	sshll.u32 s28, $0x1;
	[dreg:$0x2] =	wrdreg s2  }
0xa9: {  	[dreg:$0x3] =	wrdreg s4  }
0xaa: {  	[dreg:$0x4] =	wrdreg $0xC0  }
0xab: {  	_ =	task [dreg:s6], $0x5FFFF  }
0xac: {  	[dreg:$0x1] =	wrdreg $0xFFFFFFFF  }
0xad: {  	[dreg:$0x0] =	wrdreg $0x60  }
0xae: {  	[dreg:$0x2] =	wrdreg s24  }
0xaf: {  	[dreg:$0x3] =	wrdreg $0x90000  }
0xb0: {  	[dreg:$0x4] =	wrdreg $0x9  }
0xb1: {  	_ =	task.clear_ibuf [dreg:s6], $0x5FFFF;
	_ =	strace $0x9000004F  }
0xb2: {  	s29 =	simm.s32 $0x9;
	_ =	strace $0x80000051  }
0xb3: {  	_ =	swait.ge [sflag:s29], $0x1  }
0xb4: {  	[sflag:s29] =	ssyncadd.s32 $0xFFFFFFFF  }
0xb5: {  	_ =	strace $0x90000051  }
0xb6: {  	_ =	sfence  }
0xb7: {  	s30 =	sld [smem:$0x0];
	_ =	sdelay $0x2  }
0xb8: {  	s31 =	sshll.u32 s1, $0xD;
	s1 =	sshrl.u32 s1, $0x2  }
0xb9: {  	s3 =	sand.u32 $0x4000, s31;
	s1 =	sadd.s32 s1, s30  }
0xba: {  	s0 =	sor.u32 s3, s0;
	s1 =	sshll.u32 s1, $0x11  }
0xbb: {  	s0 =	sor.u32 s1, s0  }
0xbc: {  	s0 =	sadd.s32 $0x8F2B, s0  }
0xbd: {  	[sflag:s0] =	ssyncadd.remote.s32 $0x1  }
0xbe: {  	_ =	sfence.sel $0xFFFF  }
0xbf: {  	[dreg:$0x0] =	wrdreg $0xFFFFFFFF;
	(pc) =	sbr.abs _section_cstart, $3  }
0xc0: {  	[dreg:$0x1] =	wrdreg $0xFFFFFFFF  }
0xc1: {  	_ =	task.clear_ibuf [dreg:s6], $0x2FFFF;
	_ =	strace $0x9FFFFFFF  }
0xc2: {  	(tm) =	ssettm $0x7FFFFFFF  }
0xc3: {  	_ =	shalt  }
tec
execute0_lowered:
.L_overlay_start_1:
0x0: {  	(tag) =	ssettag $0x1  }
0x1: {  	s1 =	srdreg.scid;
	s5 =	rddreg [dreg:$0x0]  }
0x2: {  	s0 =	stileid.u32;
	s2 =	rddreg [dreg:$0x1];
	s3 =	simm.s32 $0x0  }
0x3: {  	s14 =	simm.s32 $0x2800;
	s15 =	simm.s32 $0x5000;
	s16 =	simm.s32 $0x80  }
0x4: {  	s17 =	simm.s32 $0x1;
	s21 =	simm.s32 $0x0;
	s6 =	sand.u32 $0x1, s1  }
0x5: {  	s28 =	sshll.u32 s0, $0x1;
	s1 =	rddreg [dreg:$0x2];
	s8 =	smul.u32 $0x50000, s0  }
0x6: {  	[smem:$0x7FF] =	sst s3;
	s19 =	smul.u32 $0x2800, s0;
	s31 =	sshll.u32 s0, $0x6  }
0x7: {  	s4 =	sor.u32 s6, s28;
	s7 =	smul.u32 $0x28000, s6;
	s6 =	ssub.s32 $0x2, s6  }
0x8: {  	_ =	strace $0x80000050;
	s4 =	smul.u32 $0x500, s4;
	s29 =	sshrl.u32 s6, $0x1  }
0x9: {  	s30 =	sshrl.u32 s8, $0x2;
	s12 =	sadd.s32 s7, s5;
	s13 =	ssub.s32 s6, s29  }
0xa: {  	s6 =	sadd.s32 s30, s2;
	s9 =	sadd.s32 s4, s5;
	s4 =	sadd.s32 $0xD200, s5  }
0xb: {  	s8 =	sadd.s32 $0x4000, s6;
	s10 =	sadd.s32 $0xC000, s6;
	s11 =	sadd.s32 $0x10000, s6  }
0xc: {  	s18 =	sadd.s32 $0x67200, s12;
	s12 =	smax.u32 s13, $0x1;
	s13 =	simm.s32 $0x2  }
0xd: {  	s20 =	sshrl.u32 s6, $0x3;
	s5 =	sadd.s32 $0x5D200, s9;
	s7 =	sadd.s32 $0x3200, s9  }
0xe: {  	v0 =	vimm.f32 $0.0e+00;
	s9 =	sadd.s32 $0x8000, s6;
	s18 =	sadd.s32 s19, s18;
	s19 =	sor.u32 $0x1C02, s31  }
.LBB2_1:
0xf: {  	[tilespmem:s3], [sflag:$0x2] =	stream.linear.gather [hbm4b:s5+s3], $0x2780, $0x38;
	[tilespmem:$0x1D000] =	vst v63  }
0x10: {  	_ =	swait.ge [sflag:s13], $0x2780  }
0x11: {  	[sflag:s13] =	ssyncset.done $0x0  }
0x12: {  	[sflag:s13] =	ssyncadd.s32 $0xFFFFD880  }
0x13: {  	[tilespmem:s14], [sflag:$0x2] =	stream.linear.gather [hbm4b:s7+s3], $0x2780, $0x38;
	[tilespmem:$0x1D000] =	vst v63  }
0x14: {  	s22 =	sand.u32 $0xFE00, s3;
	s23 =	sand.u32 $0x70, s3;
	_ =	swait.ge [sflag:s13], $0x2780  }
0x15: {  	s24 =	sshrl.u32 s22, $0x2;
	s22 =	simm.s32 $0x40;
	[sflag:s13] =	ssyncset.done $0x0  }
0x16: {  	s24 =	sor.u32 s23, s24;
	s23 =	simm.s32 $0x0;
	[sflag:s13] =	ssyncadd.s32 $0xFFFFD880  }
.LBB2_2:
0x17: {  	p0 =	sne.s32 s22, $0xFFC0  }
0x18: {  	[tilespmem:s24+$0x5000] =	vst v0;
	s23 =	sadd.s32 $0x10, s23;
	s24 =	smov.u32 s22;
	s22 =	sadd.s32 $0x40, s22  }
.Ltmp0:
0x19: {  	(pc) =	sbr.rel @p0 .LBB2_2-.Ltmp0, $4  }
0x1a: {  	_ = 	snop  }
0x1b: {  	s24 =	sand.u32 $0xFE00, s24  }
0x1c: {  	s25 =	sand.u32 $0x70, s23;
	s24 =	sshrl.u32 s24, $0x2  }
0x1d: {  	s24 =	sor.u32 s25, s24  }
0x1e: {  	[tilespmem:s24+$0x5000] =	vst v0  }
0x1f: {  	[spmem:s6] =	stream.linear.scatter [tilespmem:s15], [sflag:$0x2], $0x4000, $0x38;
	[tilespmem:$0x1D000] =	vst v63  }
0x20: {  	_ =	swait.ge [sflag:s13], $0x4000  }
0x21: {  	[sflag:s13] =	ssyncset.done $0x0  }
0x22: {  	[sflag:s13] =	ssyncadd.s32 $0xFFFFC000  }
0x23: {  	[spmem:s8] =	stream.linear.scatter [tilespmem:s15], [sflag:$0x2], $0x4000, $0x38;
	[tilespmem:$0x1D000] =	vst v63  }
0x24: {  	_ =	swait.ge [sflag:s13], $0x4000  }
0x25: {  	[sflag:s13] =	ssyncset.done $0x0  }
0x26: {  	[sflag:s13] =	ssyncadd.s32 $0xFFFFC000  }
0x27: {  	[spmem:s9] =	stream.linear.scatter [tilespmem:s15], [sflag:$0x2], $0x4000, $0x38;
	[tilespmem:$0x1D000] =	vst v63  }
0x28: {  	_ =	swait.ge [sflag:s13], $0x4000  }
0x29: {  	[sflag:s13] =	ssyncset.done $0x0  }
0x2a: {  	[sflag:s13] =	ssyncadd.s32 $0xFFFFC000  }
0x2b: {  	[spmem:s10] =	stream.linear.scatter [tilespmem:s15], [sflag:$0x2], $0x4000, $0x38;
	[tilespmem:$0x1D000] =	vst v63  }
0x2c: {  	_ =	swait.ge [sflag:s13], $0x4000  }
0x2d: {  	[sflag:s13] =	ssyncset.done $0x0  }
0x2e: {  	[sflag:s13] =	ssyncadd.s32 $0xFFFFC000  }
0x2f: {  	[spmem:s11] =	stream.linear.scatter [tilespmem:s15], [sflag:$0x2], $0x4000, $0x38;
	[tilespmem:$0x1D000] =	vst v63  }
0x30: {  	_ =	swait.ge [sflag:s13], $0x4000  }
0x31: {  	[sflag:s13] =	ssyncset.done $0x0  }
0x32: {  	[sflag:s13] =	ssyncadd.s32 $0xFFFFC000  }
0x33: {  	s22 =	simm.s32 $0x0;
	[bflag:$0x0] =	sbarrier.arrive $0xFFFF  }
0x34: {  	[tilespmem:s15], [sflag:$0x1] =	stream.indirect.gather [hbm4b:s4+s16], $0x80, s22, s16, $0xb8;
	[tilespmem:$0x1D000] =	vst v63  }
0x35: {  	_ =	swait.ge [sflag:s17], $0x4000  }
0x36: {  	[sflag:s17] =	ssyncset.done $0x0  }
0x37: {  	s31 =	simm.s32 $0x2800;
	[sflag:s17] =	ssyncadd.s32 $0xFFFFC000  }
0x38: {  	[spmem:s2] =	stream.indirect.scatter.add.f32 [tilespmem:s15], [sflag:$0x2], $0x80, s31, s16, $0xb8;
	[tilespmem:$0x1D000] =	vst v63  }
0x39: {  	_ =	swait.ge [sflag:s13], $0x4000  }
0x3a: {  	s23 =	simm.s32 $0x400;
	s22 =	simm.s32 $0x200;
	[sflag:s13] =	ssyncset.done $0x0  }
.LBB2_4:
0x3b: {  	s24 =	sshra.s32 s22, $0x2  }
0x3c: {  	[sflag:s13] =	ssyncadd.s32 $0xFFFFC000;
	s22 =	smov.u32 s23;
	s25 =	sadd.s32 $0x200, s23  }
0x3d: {  	[tilespmem:s15], [sflag:$0x1] =	stream.indirect.gather [hbm4b:s4+s16], $0x80, s24, s16, $0xb8;
	[tilespmem:$0x1D000] =	vst v63  }
0x3e: {  	p0 =	sne.s32 s23, $0x9C00;
	_ =	swait.ge [sflag:s17], $0x4000  }
.Ltmp1:
0x3f: {  	[sflag:s17] =	ssyncset.done $0x0;
	(pc) =	sbr.rel @p0 .LBB2_4-.Ltmp1, $4  }
0x40: {  	s23 =	sadd.s32 $0x2800, s24;
	[sflag:s17] =	ssyncadd.s32 $0xFFFFC000  }
0x41: {  	[spmem:s2] =	stream.indirect.scatter.add.f32 [tilespmem:s15], [sflag:$0x2], $0x80, s23, s16, $0xb8;
	[tilespmem:$0x1D000] =	vst v63  }
0x42: {  	_ =	swait.ge [sflag:s13], $0x4000  }
0x43: {  	s23 =	smov.u32 s25;
	[sflag:s13] =	ssyncset.done $0x0  }
0x44: {  	s22 =	sshra.s32 s22, $0x2;
	[sflag:s13] =	ssyncadd.s32 $0xFFFFC000  }
0x45: {  	[tilespmem:s15], [sflag:$0x1] =	stream.indirect.gather [hbm4b:s4+s16], $0x80, s22, s16, $0xb8;
	[tilespmem:$0x1D000] =	vst v63  }
0x46: {  	_ =	swait.ge [sflag:s17], $0x4000  }
0x47: {  	[sflag:s17] =	ssyncset.done $0x0  }
0x48: {  	s22 =	sadd.s32 $0x2800, s22;
	[sflag:s17] =	ssyncadd.s32 $0xFFFFC000  }
0x49: {  	[spmem:s2] =	stream.indirect.scatter.add.f32 [tilespmem:s15], [sflag:$0x2], $0x80, s22, s16, $0xb8;
	[tilespmem:$0x1D000] =	vst v63  }
0x4a: {  	_ =	swait.ge [sflag:s13], $0x4000  }
0x4b: {  	s21 =	sadd.s32 $0x1, s21;
	[sflag:s13] =	ssyncset.done $0x0  }
0x4c: {  	p0 =	sne.s32 s21, s12;
	[sflag:s13] =	ssyncadd.s32 $0xFFFFC000  }
.Ltmp2:
0x4d: {  	[bflag:$0x0] =	sbarrier.arrive $0xFFFF;
	(pc) =	sbr.rel @p0 .LBB2_1-.Ltmp2, $4  }
0x4e: {  	[hbm:s18], [sflag:s19] =	dma.local [spmem:s20], $0x2800  }
0x4f: {  	_ =	swait.ge [sflag:s13], $0x2800  }
0x50: {  	[sflag:s13] =	ssyncset.done $0x0  }
0x51: {  	[sflag:s13] =	ssyncadd.s32 $0xFFFFD800  }
0x52: {  	_ =	sfence.sel $0x180000  }
0x53: {  	[bflag:$0x0] =	sbarrier.arrive $0xFFFF  }
0x54: {  	p0 =	sne.s32 s0, $0x0;
	_ =	strace $0x90000050  }
0x55: {  	s0 =	sadd.s32 @!p0 $0x100000, s1;
	[bflag:$0x2] =	sbarrier.arrive $0xFFFF  }
0x56: {  	[sflag:s0] =	ssyncadd.tile.s32 @!p0 $0x1;
	_ =	shalt  }
.Lfunc_end2:
_tile_overlayer_lowered:
.L_overlay_start_2:
0x57: {  	(tag) =	ssettag $0x2  }
0x58: {  	s0 =	rddreg [dreg:$0x0];
	s2 =	stileid.u32  }
0x59: {  	s1 =	rddreg [dreg:$0x1];
	p0 =	sne.s32 s2, $0x0  }
0x5a: {  	s3 =	rddreg [dreg:$0x2];
	[bflag:$0x3] =	sbarrier.arrive $0xFFFF;
	s2 =	simm.s32 @!p0 $0x1C02  }
0x5b: {  	[timem:s3], [sflag:s2] =	dma.local @!p0 [hbm:s0], s1  }
0x5c: {  	s0 =	simm.s32 @!p0 $0x2  }
0x5d: {  	_ =	swait.ge @!p0 [sflag:s0], s1  }
0x5e: {  	s1 =	ssub.s32 @!p0 $0x0, s1;
	[sflag:s0] =	ssyncset.done @!p0 $0x0  }
0x5f: {  	[sflag:s0] =	ssyncadd.s32 @!p0 s1  }
0x60: {  	[bflag:$0x3] =	sbarrier.arrive $0xFFFF  }
0x61: {  	_ =	shalt  }

</sc_bundles>
